<compile_context>
chip_gen: v7x
topology: tpu7x:2x2x1
jax: 0.10.2.dev20260603
libtpu: 0.0.44.dev20260713+nightly
codegen_flags: <defaults>
</compile_context>

<pallas_src>
import functools

import jax
import jax.numpy as jnp
from jax import lax
from jax.experimental import pallas as pl
from jax.experimental.pallas import tpu as pltpu
from jax.experimental.pallas import tpu_sc as plsc

_NC = 2
_NS = 16
_L = 16


def kernel(x, indices):
    B, C, H, W = x.shape
    Ho, Wo = 2 * H, 2 * W
    P = B * C
    N = H * W
    M = Ho * Wo
    NWORK = _NC * _NS
    PPW = P // NWORK
    NSTRIP = 4
    SLEN = M // NSTRIP
    UN = 16

    assert P % NWORK == 0 and M % NSTRIP == 0
    assert N % (_L * UN) == 0 and SLEN % (_L * UN) == 0

    xf = x.reshape(P, N)
    idxf = indices.reshape(P, N)

    mesh = plsc.VectorSubcoreMesh(core_axis_name="c", subcore_axis_name="s")

    @functools.partial(
        pl.kernel,
        out_type=jax.ShapeDtypeStruct((P, NSTRIP, SLEN), jnp.float32),
        mesh=mesh,
        compiler_params=pltpu.CompilerParams(needs_layout_passes=False),
        scratch_types=[
            pltpu.VMEM((N,), jnp.float32),
            pltpu.VMEM((N,), jnp.int32),
            pltpu.VMEM((SLEN,), jnp.float32),
        ],
    )
    def unpool(x_hbm, idx_hbm, out_hbm, x_v, idx_v, strip_v):
        cid = lax.axis_index("c")
        sid = lax.axis_index("s")
        wid = sid * _NC + cid

        zeros = jnp.zeros((_L,), jnp.float32)

        def plane_body(j, carry):
            p = wid * PPW + j
            pltpu.sync_copy(x_hbm.at[p], x_v)
            pltpu.sync_copy(idx_hbm.at[p], idx_v)
            for s in range(NSTRIP):
                base = s * SLEN

                @plsc.parallel_loop(0, SLEN // _L, unroll=UN)
                def _(i):
                    strip_v[pl.ds(i * _L, _L)] = zeros

                def sbody(i, c):
                    for u in range(UN):
                        off = (i * UN + u) * _L
                        iv = idx_v[pl.ds(off, _L)]
                        xv = x_v[pl.ds(off, _L)]
                        t = iv - base
                        m = plsc.bitcast(t, jnp.uint32) < jnp.uint32(SLEN)
                        plsc.store_scatter(strip_v, [t], xv, mask=m)
                    return c

                lax.fori_loop(0, N // (_L * UN), sbody, 0, unroll=False)
                pltpu.sync_copy(strip_v, out_hbm.at[p, s])
            return carry

        lax.fori_loop(0, PPW, plane_body, 0, unroll=False)

    out = unpool(xf, idxf)
    return out.reshape(B, C, Ho, Wo)

# --- scband reference (transcript-rebuilt; emitter-appended) ---
"""Pipeline reference for scband-max-unpool2d-65592740545149 (READ-ONLY COPY).

The authoritative reference and input builder live on the scoring server;
editing this copy changes nothing except your own understanding.
"""

import jax, jax.numpy as jnp
import numpy as np


def setup_inputs(seed: int = 0) -> dict:
    key = jax.random.key(seed)
    k1, k2 = jax.random.split(key)
    B, C, H, W = 4, 96, 192, 192
    Ho, Wo = H * 2, W * 2
    x = jax.random.normal(k1, (B, C, H, W), dtype=jnp.float32)
    # MaxUnpool2d indices are flat positions within each (b, c) output plane,
    # i.e. values in [0, Ho*Wo).
    indices = jax.random.randint(k2, (B, C, H, W), 0, Ho * Wo, dtype=jnp.int32)
    return {"x": x, "indices": indices}


def reference(x, indices):
    # Faithful jax translation of nn.MaxUnpool2d(kernel_size=2, stride=2):
    # scatter each pooled value into a zero-initialized output plane at the
    # flat location given by `indices` (scatter-overwrite, last write wins).
    B, C, H, W = x.shape
    Ho, Wo = H * 2, W * 2
    x_flat = x.reshape(B * C, H * W)
    idx_flat = indices.reshape(B * C, H * W)
    bc = jnp.arange(B * C, dtype=jnp.int32)[:, None]
    out_flat = jnp.zeros((B * C, Ho * Wo), dtype=x.dtype).at[bc, idx_flat].set(x_flat)
    return out_flat.reshape(B, C, Ho, Wo)

if __name__ == "__main__":
    import jax
    _d = setup_inputs()
    print(jax.jit(kernel)(*tuple(_d.values())))

</pallas_src>

<mosaic_0001>
#map = affine_map<(d0, d1) -> (0, 0)>
#map1 = affine_map<(d0, d1) -> (0, 0, 0)>
module attributes {stable_mosaic.version = 14 : i64} {
  func.func @unpool(%arg0: i32, %arg1: i32, %arg2: memref<384x36864xf32, #tpu.memory_space<hbm>>, %arg3: memref<384x36864xi32, #tpu.memory_space<hbm>>, %arg4: memref<384x4x36864xf32, #tpu.memory_space<hbm>>, %arg5: memref<36864xf32, #tpu.memory_space<vmem>>, %arg6: memref<36864xi32, #tpu.memory_space<vmem>>, %arg7: memref<36864xf32, #tpu.memory_space<vmem>>) attributes {dimension_semantics = [#tpu.dimension_semantics<core_parallel>, #tpu.dimension_semantics<subcore_parallel>], iteration_bounds = array<i64: 2, 16>, scalar_prefetch = 0 : i64, scratch_operands = 3 : i64, tpu.core_type = #tpu.core_type<sc_vector_subcore>, window_params = [{transform_indices = #map}, {transform_indices = #map}, {transform_indices = #map1}]} {
    %mul3A = arith.constant 2 : i32
    %mul3A_0 = arith.muli %arg1, %mul3A : i32
    %add3A = arith.addi %mul3A_0, %arg0 : i32
    %broadcast_in_dim3A = arith.constant 0.000000e+00 : f32
    %broadcast_in_dim3A_1 = vector.broadcast %broadcast_in_dim3A : f32 to vector<16xf32>
    %scan3A = arith.constant 0 : i32
    %scan3A_2 = arith.constant 0 : i32
    %scan3A_3 = arith.constant 12 : i32
    %scan3A_4 = arith.addi %scan3A_2, %scan3A_3 : i32
    %scan3A_5 = arith.constant 1 : i32
    scf.for %scan3A_7 = %scan3A_2 to %scan3A_4 step %scan3A_5  : i32 {
      %mul3A_8 = arith.constant 12 : i32
      %mul3A_9 = arith.muli %add3A, %mul3A_8 : i32
      %add3A_10 = arith.addi %mul3A_9, %scan3A_7 : i32
      "tpu.region"() ({
        %run_scoped3A_49 = tpu.sem_alloc : memref<!tpu.dma_semaphore, #tpu.memory_space<semaphore_mem>>
        %dma_start3A = arith.constant 0 : i32
        %dma_start3A_50 = tpu.memref_slice %arg2[%add3A_10, %dma_start3A] : memref<384x36864xf32, #tpu.memory_space<hbm>> -> memref<1x36864xf32, #tpu.memory_space<hbm>>
        %dma_start3A_51 = tpu.memref_squeeze %dma_start3A_50 : memref<1x36864xf32, #tpu.memory_space<hbm>> -> memref<36864xf32, #tpu.memory_space<hbm>>
        %dma_start3A_52 = arith.constant 0 : i32
        %dma_start3A_53 = tpu.memref_slice %arg2[%add3A_10, %dma_start3A_52] : memref<384x36864xf32, #tpu.memory_space<hbm>> -> memref<1x36864xf32, #tpu.memory_space<hbm>>
        %dma_start3A_54 = tpu.memref_squeeze %dma_start3A_53 : memref<1x36864xf32, #tpu.memory_space<hbm>> -> memref<36864xf32, #tpu.memory_space<hbm>>
        tpu.enqueue_dma source(%dma_start3A_54 : memref<36864xf32, #tpu.memory_space<hbm>>) target(%arg5 : memref<36864xf32, #tpu.memory_space<vmem>>) target_semaphore(%run_scoped3A_49 : memref<!tpu.dma_semaphore, #tpu.memory_space<semaphore_mem>>)
        %dma_wait3A = arith.constant 0 : i32
        %dma_wait3A_55 = tpu.memref_slice %arg2[%add3A_10, %dma_wait3A] : memref<384x36864xf32, #tpu.memory_space<hbm>> -> memref<1x36864xf32, #tpu.memory_space<hbm>>
        %dma_wait3A_56 = tpu.memref_squeeze %dma_wait3A_55 : memref<1x36864xf32, #tpu.memory_space<hbm>> -> memref<36864xf32, #tpu.memory_space<hbm>>
        %dma_wait3A_57 = arith.constant 0 : i32
        %dma_wait3A_58 = tpu.memref_slice %arg2[%add3A_10, %dma_wait3A_57] : memref<384x36864xf32, #tpu.memory_space<hbm>> -> memref<1x36864xf32, #tpu.memory_space<hbm>>
        %dma_wait3A_59 = tpu.memref_squeeze %dma_wait3A_58 : memref<1x36864xf32, #tpu.memory_space<hbm>> -> memref<36864xf32, #tpu.memory_space<hbm>>
        tpu.wait_dma2 semaphore(%run_scoped3A_49 : memref<!tpu.dma_semaphore, #tpu.memory_space<semaphore_mem>>) src(%dma_wait3A_59 : memref<36864xf32, #tpu.memory_space<hbm>>) dst(%arg5 : memref<36864xf32, #tpu.memory_space<vmem>>)
        tpu.yield
      }) : () -> ()
      "tpu.region"() ({
        %run_scoped3A_49 = tpu.sem_alloc : memref<!tpu.dma_semaphore, #tpu.memory_space<semaphore_mem>>
        %dma_start3A = arith.constant 0 : i32
        %dma_start3A_50 = tpu.memref_slice %arg3[%add3A_10, %dma_start3A] : memref<384x36864xi32, #tpu.memory_space<hbm>> -> memref<1x36864xi32, #tpu.memory_space<hbm>>
        %dma_start3A_51 = tpu.memref_squeeze %dma_start3A_50 : memref<1x36864xi32, #tpu.memory_space<hbm>> -> memref<36864xi32, #tpu.memory_space<hbm>>
        %dma_start3A_52 = arith.constant 0 : i32
        %dma_start3A_53 = tpu.memref_slice %arg3[%add3A_10, %dma_start3A_52] : memref<384x36864xi32, #tpu.memory_space<hbm>> -> memref<1x36864xi32, #tpu.memory_space<hbm>>
        %dma_start3A_54 = tpu.memref_squeeze %dma_start3A_53 : memref<1x36864xi32, #tpu.memory_space<hbm>> -> memref<36864xi32, #tpu.memory_space<hbm>>
        tpu.enqueue_dma source(%dma_start3A_54 : memref<36864xi32, #tpu.memory_space<hbm>>) target(%arg6 : memref<36864xi32, #tpu.memory_space<vmem>>) target_semaphore(%run_scoped3A_49 : memref<!tpu.dma_semaphore, #tpu.memory_space<semaphore_mem>>)
        %dma_wait3A = arith.constant 0 : i32
        %dma_wait3A_55 = tpu.memref_slice %arg3[%add3A_10, %dma_wait3A] : memref<384x36864xi32, #tpu.memory_space<hbm>> -> memref<1x36864xi32, #tpu.memory_space<hbm>>
        %dma_wait3A_56 = tpu.memref_squeeze %dma_wait3A_55 : memref<1x36864xi32, #tpu.memory_space<hbm>> -> memref<36864xi32, #tpu.memory_space<hbm>>
        %dma_wait3A_57 = arith.constant 0 : i32
        %dma_wait3A_58 = tpu.memref_slice %arg3[%add3A_10, %dma_wait3A_57] : memref<384x36864xi32, #tpu.memory_space<hbm>> -> memref<1x36864xi32, #tpu.memory_space<hbm>>
        %dma_wait3A_59 = tpu.memref_squeeze %dma_wait3A_58 : memref<1x36864xi32, #tpu.memory_space<hbm>> -> memref<36864xi32, #tpu.memory_space<hbm>>
        tpu.wait_dma2 semaphore(%run_scoped3A_49 : memref<!tpu.dma_semaphore, #tpu.memory_space<semaphore_mem>>) src(%dma_wait3A_59 : memref<36864xi32, #tpu.memory_space<hbm>>) dst(%arg6 : memref<36864xi32, #tpu.memory_space<vmem>>)
        tpu.yield
      }) : () -> ()
      %parallel_loop3A = arith.constant 0 : i32
      %parallel_loop3A_11 = arith.constant 2304 : i32
      %parallel_loop3A_12 = arith.constant 1 : i32
      scf.for %parallel_loop3A_49 = %parallel_loop3A to %parallel_loop3A_11 step %parallel_loop3A_12  : i32 {
        %parallel_loop3A_50 = arith.constant 16 : i32
        %parallel_loop3A_51 = arith.muli %parallel_loop3A_49, %parallel_loop3A_50 : i32
        %parallel_loop3A_52 = arith.index_cast %parallel_loop3A_51 : i32 to index
        %parallel_loop3A_53 = tpu.vector_load %arg7[%parallel_loop3A_52] {strides = array<i32>} : memref<36864xf32, #tpu.memory_space<vmem>>, vector<16xf32>,
        tpu.vector_store %arg7[%parallel_loop3A_52], %broadcast_in_dim3A_1 {strides = array<i32>} : memref<36864xf32, #tpu.memory_space<vmem>>, vector<16xf32>,
      } {sc.loop_unroll_factor = 16 : i64, sc.parallel_access}
      %scan3A_13 = arith.constant 0 : i32
      %scan3A_14 = arith.constant 0 : i32
      %scan3A_15 = arith.constant 144 : i32
      %scan3A_16 = arith.addi %scan3A_14, %scan3A_15 : i32
      %scan3A_17 = arith.constant 1 : i32
      scf.for %scan3A_49 = %scan3A_14 to %scan3A_16 step %scan3A_17  : i32 {
        %mul3A_50 = arith.constant 16 : i32
        %mul3A_51 = arith.muli %scan3A_49, %mul3A_50 : i32
        %add3A_52 = arith.constant 0 : i32
        %add3A_53 = arith.addi %mul3A_51, %add3A_52 : i32
        %mul3A_54 = arith.constant 16 : i32
        %mul3A_55 = arith.muli %add3A_53, %mul3A_54 : i32
        %get3A = arith.index_cast %mul3A_55 : i32 to index
        %get3A_56 = tpu.vector_load %arg6[%get3A] {strides = array<i32>} : memref<36864xi32, #tpu.memory_space<vmem>>, vector<16xi32>,
        %get3A_57 = arith.index_cast %mul3A_55 : i32 to index
        %get3A_58 = tpu.vector_load %arg5[%get3A_57] {strides = array<i32>} : memref<36864xf32, #tpu.memory_space<vmem>>, vector<16xf32>,
        %sub3A = arith.constant 0 : i32
        %sub3A_59 = vector.broadcast %sub3A : i32 to vector<16xi32>
        %sub3A_60 = arith.subi %get3A_56, %sub3A_59 : vector<16xi32>
        %bitcast3A = vector.bitcast %sub3A_60 : vector<16xi32> to vector<16xi32>
        %lt3A = arith.constant 36864 : i32
        %lt3A_61 = vector.broadcast %lt3A : i32 to vector<16xi32>
        %lt3A_62 = arith.cmpi ult, %bitcast3A, %lt3A_61 : vector<16xi32>
        tpu.vector_store_idx %arg7[%sub3A_60], %get3A_58 masked %lt3A_62 : memref<36864xf32, #tpu.memory_space<vmem>>[vector<16xi32>], vector<16xf32>, vector<16xi1>
        %mul3A_63 = arith.constant 16 : i32
        %mul3A_64 = arith.muli %scan3A_49, %mul3A_63 : i32
        %add3A_65 = arith.constant 1 : i32
        %add3A_66 = arith.addi %mul3A_64, %add3A_65 : i32
        %mul3A_67 = arith.constant 16 : i32
        %mul3A_68 = arith.muli %add3A_66, %mul3A_67 : i32
        %get3A_69 = arith.index_cast %mul3A_68 : i32 to index
        %get3A_70 = tpu.vector_load %arg6[%get3A_69] {strides = array<i32>} : memref<36864xi32, #tpu.memory_space<vmem>>, vector<16xi32>,
        %get3A_71 = arith.index_cast %mul3A_68 : i32 to index
        %get3A_72 = tpu.vector_load %arg5[%get3A_71] {strides = array<i32>} : memref<36864xf32, #tpu.memory_space<vmem>>, vector<16xf32>,
        %sub3A_73 = arith.constant 0 : i32
        %sub3A_74 = vector.broadcast %sub3A_73 : i32 to vector<16xi32>
        %sub3A_75 = arith.subi %get3A_70, %sub3A_74 : vector<16xi32>
        %bitcast3A_76 = vector.bitcast %sub3A_75 : vector<16xi32> to vector<16xi32>
        %lt3A_77 = arith.constant 36864 : i32
        %lt3A_78 = vector.broadcast %lt3A_77 : i32 to vector<16xi32>
        %lt3A_79 = arith.cmpi ult, %bitcast3A_76, %lt3A_78 : vector<16xi32>
        tpu.vector_store_idx %arg7[%sub3A_75], %get3A_72 masked %lt3A_79 : memref<36864xf32, #tpu.memory_space<vmem>>[vector<16xi32>], vector<16xf32>, vector<16xi1>
        %mul3A_80 = arith.constant 16 : i32
        %mul3A_81 = arith.muli %scan3A_49, %mul3A_80 : i32
        %add3A_82 = arith.constant 2 : i32
        %add3A_83 = arith.addi %mul3A_81, %add3A_82 : i32
        %mul3A_84 = arith.constant 16 : i32
        %mul3A_85 = arith.muli %add3A_83, %mul3A_84 : i32
        %get3A_86 = arith.index_cast %mul3A_85 : i32 to index
        %get3A_87 = tpu.vector_load %arg6[%get3A_86] {strides = array<i32>} : memref<36864xi32, #tpu.memory_space<vmem>>, vector<16xi32>,
        %get3A_88 = arith.index_cast %mul3A_85 : i32 to index
        %get3A_89 = tpu.vector_load %arg5[%get3A_88] {strides = array<i32>} : memref<36864xf32, #tpu.memory_space<vmem>>, vector<16xf32>,
        %sub3A_90 = arith.constant 0 : i32
        %sub3A_91 = vector.broadcast %sub3A_90 : i32 to vector<16xi32>
        %sub3A_92 = arith.subi %get3A_87, %sub3A_91 : vector<16xi32>
        %bitcast3A_93 = vector.bitcast %sub3A_92 : vector<16xi32> to vector<16xi32>
        %lt3A_94 = arith.constant 36864 : i32
        %lt3A_95 = vector.broadcast %lt3A_94 : i32 to vector<16xi32>
        %lt3A_96 = arith.cmpi ult, %bitcast3A_93, %lt3A_95 : vector<16xi32>
        tpu.vector_store_idx %arg7[%sub3A_92], %get3A_89 masked %lt3A_96 : memref<36864xf32, #tpu.memory_space<vmem>>[vector<16xi32>], vector<16xf32>, vector<16xi1>
        %mul3A_97 = arith.constant 16 : i32
        %mul3A_98 = arith.muli %scan3A_49, %mul3A_97 : i32
        %add3A_99 = arith.constant 3 : i32
        %add3A_100 = arith.addi %mul3A_98, %add3A_99 : i32
        %mul3A_101 = arith.constant 16 : i32
        %mul3A_102 = arith.muli %add3A_100, %mul3A_101 : i32
        %get3A_103 = arith.index_cast %mul3A_102 : i32 to index
        %get3A_104 = tpu.vector_load %arg6[%get3A_103] {strides = array<i32>} : memref<36864xi32, #tpu.memory_space<vmem>>, vector<16xi32>,
        %get3A_105 = arith.index_cast %mul3A_102 : i32 to index
        %get3A_106 = tpu.vector_load %arg5[%get3A_105] {strides = array<i32>} : memref<36864xf32, #tpu.memory_space<vmem>>, vector<16xf32>,
        %sub3A_107 = arith.constant 0 : i32
        %sub3A_108 = vector.broadcast %sub3A_107 : i32 to vector<16xi32>
        %sub3A_109 = arith.subi %get3A_104, %sub3A_108 : vector<16xi32>
        %bitcast3A_110 = vector.bitcast %sub3A_109 : vector<16xi32> to vector<16xi32>
        %lt3A_111 = arith.constant 36864 : i32
        %lt3A_112 = vector.broadcast %lt3A_111 : i32 to vector<16xi32>
        %lt3A_113 = arith.cmpi ult, %bitcast3A_110, %lt3A_112 : vector<16xi32>
        tpu.vector_store_idx %arg7[%sub3A_109], %get3A_106 masked %lt3A_113 : memref<36864xf32, #tpu.memory_space<vmem>>[vector<16xi32>], vector<16xf32>, vector<16xi1>
        %mul3A_114 = arith.constant 16 : i32
        %mul3A_115 = arith.muli %scan3A_49, %mul3A_114 : i32
        %add3A_116 = arith.constant 4 : i32
        %add3A_117 = arith.addi %mul3A_115, %add3A_116 : i32
        %mul3A_118 = arith.constant 16 : i32
        %mul3A_119 = arith.muli %add3A_117, %mul3A_118 : i32
        %get3A_120 = arith.index_cast %mul3A_119 : i32 to index
        %get3A_121 = tpu.vector_load %arg6[%get3A_120] {strides = array<i32>} : memref<36864xi32, #tpu.memory_space<vmem>>, vector<16xi32>,
        %get3A_122 = arith.index_cast %mul3A_119 : i32 to index
        %get3A_123 = tpu.vector_load %arg5[%get3A_122] {strides = array<i32>} : memref<36864xf32, #tpu.memory_space<vmem>>, vector<16xf32>,
        %sub3A_124 = arith.constant 0 : i32
        %sub3A_125 = vector.broadcast %sub3A_124 : i32 to vector<16xi32>
        %sub3A_126 = arith.subi %get3A_121, %sub3A_125 : vector<16xi32>
        %bitcast3A_127 = vector.bitcast %sub3A_126 : vector<16xi32> to vector<16xi32>
        %lt3A_128 = arith.constant 36864 : i32
        %lt3A_129 = vector.broadcast %lt3A_128 : i32 to vector<16xi32>
        %lt3A_130 = arith.cmpi ult, %bitcast3A_127, %lt3A_129 : vector<16xi32>
        tpu.vector_store_idx %arg7[%sub3A_126], %get3A_123 masked %lt3A_130 : memref<36864xf32, #tpu.memory_space<vmem>>[vector<16xi32>], vector<16xf32>, vector<16xi1>
        %mul3A_131 = arith.constant 16 : i32
        %mul3A_132 = arith.muli %scan3A_49, %mul3A_131 : i32
        %add3A_133 = arith.constant 5 : i32
        %add3A_134 = arith.addi %mul3A_132, %add3A_133 : i32
        %mul3A_135 = arith.constant 16 : i32
        %mul3A_136 = arith.muli %add3A_134, %mul3A_135 : i32
        %get3A_137 = arith.index_cast %mul3A_136 : i32 to index
        %get3A_138 = tpu.vector_load %arg6[%get3A_137] {strides = array<i32>} : memref<36864xi32, #tpu.memory_space<vmem>>, vector<16xi32>,
        %get3A_139 = arith.index_cast %mul3A_136 : i32 to index
        %get3A_140 = tpu.vector_load %arg5[%get3A_139] {strides = array<i32>} : memref<36864xf32, #tpu.memory_space<vmem>>, vector<16xf32>,
        %sub3A_141 = arith.constant 0 : i32
        %sub3A_142 = vector.broadcast %sub3A_141 : i32 to vector<16xi32>
        %sub3A_143 = arith.subi %get3A_138, %sub3A_142 : vector<16xi32>
        %bitcast3A_144 = vector.bitcast %sub3A_143 : vector<16xi32> to vector<16xi32>
        %lt3A_145 = arith.constant 36864 : i32
        %lt3A_146 = vector.broadcast %lt3A_145 : i32 to vector<16xi32>
        %lt3A_147 = arith.cmpi ult, %bitcast3A_144, %lt3A_146 : vector<16xi32>
        tpu.vector_store_idx %arg7[%sub3A_143], %get3A_140 masked %lt3A_147 : memref<36864xf32, #tpu.memory_space<vmem>>[vector<16xi32>], vector<16xf32>, vector<16xi1>
        %mul3A_148 = arith.constant 16 : i32
        %mul3A_149 = arith.muli %scan3A_49, %mul3A_148 : i32
        %add3A_150 = arith.constant 6 : i32
        %add3A_151 = arith.addi %mul3A_149, %add3A_150 : i32
        %mul3A_152 = arith.constant 16 : i32
        %mul3A_153 = arith.muli %add3A_151, %mul3A_152 : i32
        %get3A_154 = arith.index_cast %mul3A_153 : i32 to index
        %get3A_155 = tpu.vector_load %arg6[%get3A_154] {strides = array<i32>} : memref<36864xi32, #tpu.memory_space<vmem>>, vector<16xi32>,
        %get3A_156 = arith.index_cast %mul3A_153 : i32 to index
        %get3A_157 = tpu.vector_load %arg5[%get3A_156] {strides = array<i32>} : memref<36864xf32, #tpu.memory_space<vmem>>, vector<16xf32>,
        %sub3A_158 = arith.constant 0 : i32
        %sub3A_159 = vector.broadcast %sub3A_158 : i32 to vector<16xi32>
        %sub3A_160 = arith.subi %get3A_155, %sub3A_159 : vector<16xi32>
        %bitcast3A_161 = vector.bitcast %sub3A_160 : vector<16xi32> to vector<16xi32>
        %lt3A_162 = arith.constant 36864 : i32
        %lt3A_163 = vector.broadcast %lt3A_162 : i32 to vector<16xi32>
        %lt3A_164 = arith.cmpi ult, %bitcast3A_161, %lt3A_163 : vector<16xi32>
        tpu.vector_store_idx %arg7[%sub3A_160], %get3A_157 masked %lt3A_164 : memref<36864xf32, #tpu.memory_space<vmem>>[vector<16xi32>], vector<16xf32>, vector<16xi1>
        %mul3A_165 = arith.constant 16 : i32
        %mul3A_166 = arith.muli %scan3A_49, %mul3A_165 : i32
        %add3A_167 = arith.constant 7 : i32
        %add3A_168 = arith.addi %mul3A_166, %add3A_167 : i32
        %mul3A_169 = arith.constant 16 : i32
        %mul3A_170 = arith.muli %add3A_168, %mul3A_169 : i32
        %get3A_171 = arith.index_cast %mul3A_170 : i32 to index
        %get3A_172 = tpu.vector_load %arg6[%get3A_171] {strides = array<i32>} : memref<36864xi32, #tpu.memory_space<vmem>>, vector<16xi32>,
        %get3A_173 = arith.index_cast %mul3A_170 : i32 to index
        %get3A_174 = tpu.vector_load %arg5[%get3A_173] {strides = array<i32>} : memref<36864xf32, #tpu.memory_space<vmem>>, vector<16xf32>,
        %sub3A_175 = arith.constant 0 : i32
        %sub3A_176 = vector.broadcast %sub3A_175 : i32 to vector<16xi32>
        %sub3A_177 = arith.subi %get3A_172, %sub3A_176 : vector<16xi32>
        %bitcast3A_178 = vector.bitcast %sub3A_177 : vector<16xi32> to vector<16xi32>
        %lt3A_179 = arith.constant 36864 : i32
        %lt3A_180 = vector.broadcast %lt3A_179 : i32 to vector<16xi32>
        %lt3A_181 = arith.cmpi ult, %bitcast3A_178, %lt3A_180 : vector<16xi32>
        tpu.vector_store_idx %arg7[%sub3A_177], %get3A_174 masked %lt3A_181 : memref<36864xf32, #tpu.memory_space<vmem>>[vector<16xi32>], vector<16xf32>, vector<16xi1>
        %mul3A_182 = arith.constant 16 : i32
        %mul3A_183 = arith.muli %scan3A_49, %mul3A_182 : i32
        %add3A_184 = arith.constant 8 : i32
        %add3A_185 = arith.addi %mul3A_183, %add3A_184 : i32
        %mul3A_186 = arith.constant 16 : i32
        %mul3A_187 = arith.muli %add3A_185, %mul3A_186 : i32
        %get3A_188 = arith.index_cast %mul3A_187 : i32 to index
        %get3A_189 = tpu.vector_load %arg6[%get3A_188] {strides = array<i32>} : memref<36864xi32, #tpu.memory_space<vmem>>, vector<16xi32>,
        %get3A_190 = arith.index_cast %mul3A_187 : i32 to index
        %get3A_191 = tpu.vector_load %arg5[%get3A_190] {strides = array<i32>} : memref<36864xf32, #tpu.memory_space<vmem>>, vector<16xf32>,
        %sub3A_192 = arith.constant 0 : i32
        %sub3A_193 = vector.broadcast %sub3A_192 : i32 to vector<16xi32>
        %sub3A_194 = arith.subi %get3A_189, %sub3A_193 : vector<16xi32>
        %bitcast3A_195 = vector.bitcast %sub3A_194 : vector<16xi32> to vector<16xi32>
        %lt3A_196 = arith.constant 36864 : i32
        %lt3A_197 = vector.broadcast %lt3A_196 : i32 to vector<16xi32>
        %lt3A_198 = arith.cmpi ult, %bitcast3A_195, %lt3A_197 : vector<16xi32>
        tpu.vector_store_idx %arg7[%sub3A_194], %get3A_191 masked %lt3A_198 : memref<36864xf32, #tpu.memory_space<vmem>>[vector<16xi32>], vector<16xf32>, vector<16xi1>
        %mul3A_199 = arith.constant 16 : i32
        %mul3A_200 = arith.muli %scan3A_49, %mul3A_199 : i32
        %add3A_201 = arith.constant 9 : i32
        %add3A_202 = arith.addi %mul3A_200, %add3A_201 : i32
        %mul3A_203 = arith.constant 16 : i32
        %mul3A_204 = arith.muli %add3A_202, %mul3A_203 : i32
        %get3A_205 = arith.index_cast %mul3A_204 : i32 to index
        %get3A_206 = tpu.vector_load %arg6[%get3A_205] {strides = array<i32>} : memref<36864xi32, #tpu.memory_space<vmem>>, vector<16xi32>,
        %get3A_207 = arith.index_cast %mul3A_204 : i32 to index
        %get3A_208 = tpu.vector_load %arg5[%get3A_207] {strides = array<i32>} : memref<36864xf32, #tpu.memory_space<vmem>>, vector<16xf32>,
        %sub3A_209 = arith.constant 0 : i32
        %sub3A_210 = vector.broadcast %sub3A_209 : i32 to vector<16xi32>
        %sub3A_211 = arith.subi %get3A_206, %sub3A_210 : vector<16xi32>
        %bitcast3A_212 = vector.bitcast %sub3A_211 : vector<16xi32> to vector<16xi32>
        %lt3A_213 = arith.constant 36864 : i32
        %lt3A_214 = vector.broadcast %lt3A_213 : i32 to vector<16xi32>
        %lt3A_215 = arith.cmpi ult, %bitcast3A_212, %lt3A_214 : vector<16xi32>
        tpu.vector_store_idx %arg7[%sub3A_211], %get3A_208 masked %lt3A_215 : memref<36864xf32, #tpu.memory_space<vmem>>[vector<16xi32>], vector<16xf32>, vector<16xi1>
        %mul3A_216 = arith.constant 16 : i32
        %mul3A_217 = arith.muli %scan3A_49, %mul3A_216 : i32
        %add3A_218 = arith.constant 10 : i32
        %add3A_219 = arith.addi %mul3A_217, %add3A_218 : i32
        %mul3A_220 = arith.constant 16 : i32
        %mul3A_221 = arith.muli %add3A_219, %mul3A_220 : i32
        %get3A_222 = arith.index_cast %mul3A_221 : i32 to index
        %get3A_223 = tpu.vector_load %arg6[%get3A_222] {strides = array<i32>} : memref<36864xi32, #tpu.memory_space<vmem>>, vector<16xi32>,
        %get3A_224 = arith.index_cast %mul3A_221 : i32 to index
        %get3A_225 = tpu.vector_load %arg5[%get3A_224] {strides = array<i32>} : memref<36864xf32, #tpu.memory_space<vmem>>, vector<16xf32>,
        %sub3A_226 = arith.constant 0 : i32
        %sub3A_227 = vector.broadcast %sub3A_226 : i32 to vector<16xi32>
        %sub3A_228 = arith.subi %get3A_223, %sub3A_227 : vector<16xi32>
        %bitcast3A_229 = vector.bitcast %sub3A_228 : vector<16xi32> to vector<16xi32>
        %lt3A_230 = arith.constant 36864 : i32
        %lt3A_231 = vector.broadcast %lt3A_230 : i32 to vector<16xi32>
        %lt3A_232 = arith.cmpi ult, %bitcast3A_229, %lt3A_231 : vector<16xi32>
        tpu.vector_store_idx %arg7[%sub3A_228], %get3A_225 masked %lt3A_232 : memref<36864xf32, #tpu.memory_space<vmem>>[vector<16xi32>], vector<16xf32>, vector<16xi1>
        %mul3A_233 = arith.constant 16 : i32
        %mul3A_234 = arith.muli %scan3A_49, %mul3A_233 : i32
        %add3A_235 = arith.constant 11 : i32
        %add3A_236 = arith.addi %mul3A_234, %add3A_235 : i32
        %mul3A_237 = arith.constant 16 : i32
        %mul3A_238 = arith.muli %add3A_236, %mul3A_237 : i32
        %get3A_239 = arith.index_cast %mul3A_238 : i32 to index
        %get3A_240 = tpu.vector_load %arg6[%get3A_239] {strides = array<i32>} : memref<36864xi32, #tpu.memory_space<vmem>>, vector<16xi32>,
        %get3A_241 = arith.index_cast %mul3A_238 : i32 to index
        %get3A_242 = tpu.vector_load %arg5[%get3A_241] {strides = array<i32>} : memref<36864xf32, #tpu.memory_space<vmem>>, vector<16xf32>,
        %sub3A_243 = arith.constant 0 : i32
        %sub3A_244 = vector.broadcast %sub3A_243 : i32 to vector<16xi32>
        %sub3A_245 = arith.subi %get3A_240, %sub3A_244 : vector<16xi32>
        %bitcast3A_246 = vector.bitcast %sub3A_245 : vector<16xi32> to vector<16xi32>
        %lt3A_247 = arith.constant 36864 : i32
        %lt3A_248 = vector.broadcast %lt3A_247 : i32 to vector<16xi32>
        %lt3A_249 = arith.cmpi ult, %bitcast3A_246, %lt3A_248 : vector<16xi32>
        tpu.vector_store_idx %arg7[%sub3A_245], %get3A_242 masked %lt3A_249 : memref<36864xf32, #tpu.memory_space<vmem>>[vector<16xi32>], vector<16xf32>, vector<16xi1>
        %mul3A_250 = arith.constant 16 : i32
        %mul3A_251 = arith.muli %scan3A_49, %mul3A_250 : i32
        %add3A_252 = arith.constant 12 : i32
        %add3A_253 = arith.addi %mul3A_251, %add3A_252 : i32
        %mul3A_254 = arith.constant 16 : i32
        %mul3A_255 = arith.muli %add3A_253, %mul3A_254 : i32
        %get3A_256 = arith.index_cast %mul3A_255 : i32 to index
        %get3A_257 = tpu.vector_load %arg6[%get3A_256] {strides = array<i32>} : memref<36864xi32, #tpu.memory_space<vmem>>, vector<16xi32>,
        %get3A_258 = arith.index_cast %mul3A_255 : i32 to index
        %get3A_259 = tpu.vector_load %arg5[%get3A_258] {strides = array<i32>} : memref<36864xf32, #tpu.memory_space<vmem>>, vector<16xf32>,
        %sub3A_260 = arith.constant 0 : i32
        %sub3A_261 = vector.broadcast %sub3A_260 : i32 to vector<16xi32>
        %sub3A_262 = arith.subi %get3A_257, %sub3A_261 : vector<16xi32>
        %bitcast3A_263 = vector.bitcast %sub3A_262 : vector<16xi32> to vector<16xi32>
        %lt3A_264 = arith.constant 36864 : i32
        %lt3A_265 = vector.broadcast %lt3A_264 : i32 to vector<16xi32>
        %lt3A_266 = arith.cmpi ult, %bitcast3A_263, %lt3A_265 : vector<16xi32>
        tpu.vector_store_idx %arg7[%sub3A_262], %get3A_259 masked %lt3A_266 : memref<36864xf32, #tpu.memory_space<vmem>>[vector<16xi32>], vector<16xf32>, vector<16xi1>
        %mul3A_267 = arith.constant 16 : i32
        %mul3A_268 = arith.muli %scan3A_49, %mul3A_267 : i32
        %add3A_269 = arith.constant 13 : i32
        %add3A_270 = arith.addi %mul3A_268, %add3A_269 : i32
        %mul3A_271 = arith.constant 16 : i32
        %mul3A_272 = arith.muli %add3A_270, %mul3A_271 : i32
        %get3A_273 = arith.index_cast %mul3A_272 : i32 to index
        %get3A_274 = tpu.vector_load %arg6[%get3A_273] {strides = array<i32>} : memref<36864xi32, #tpu.memory_space<vmem>>, vector<16xi32>,
        %get3A_275 = arith.index_cast %mul3A_272 : i32 to index
        %get3A_276 = tpu.vector_load %arg5[%get3A_275] {strides = array<i32>} : memref<36864xf32, #tpu.memory_space<vmem>>, vector<16xf32>,
        %sub3A_277 = arith.constant 0 : i32
        %sub3A_278 = vector.broadcast %sub3A_277 : i32 to vector<16xi32>
        %sub3A_279 = arith.subi %get3A_274, %sub3A_278 : vector<16xi32>
        %bitcast3A_280 = vector.bitcast %sub3A_279 : vector<16xi32> to vector<16xi32>
        %lt3A_281 = arith.constant 36864 : i32
        %lt3A_282 = vector.broadcast %lt3A_281 : i32 to vector<16xi32>
        %lt3A_283 = arith.cmpi ult, %bitcast3A_280, %lt3A_282 : vector<16xi32>
        tpu.vector_store_idx %arg7[%sub3A_279], %get3A_276 masked %lt3A_283 : memref<36864xf32, #tpu.memory_space<vmem>>[vector<16xi32>], vector<16xf32>, vector<16xi1>
        %mul3A_284 = arith.constant 16 : i32
        %mul3A_285 = arith.muli %scan3A_49, %mul3A_284 : i32
        %add3A_286 = arith.constant 14 : i32
        %add3A_287 = arith.addi %mul3A_285, %add3A_286 : i32
        %mul3A_288 = arith.constant 16 : i32
        %mul3A_289 = arith.muli %add3A_287, %mul3A_288 : i32
        %get3A_290 = arith.index_cast %mul3A_289 : i32 to index
        %get3A_291 = tpu.vector_load %arg6[%get3A_290] {strides = array<i32>} : memref<36864xi32, #tpu.memory_space<vmem>>, vector<16xi32>,
        %get3A_292 = arith.index_cast %mul3A_289 : i32 to index
        %get3A_293 = tpu.vector_load %arg5[%get3A_292] {strides = array<i32>} : memref<36864xf32, #tpu.memory_space<vmem>>, vector<16xf32>,
        %sub3A_294 = arith.constant 0 : i32
        %sub3A_295 = vector.broadcast %sub3A_294 : i32 to vector<16xi32>
        %sub3A_296 = arith.subi %get3A_291, %sub3A_295 : vector<16xi32>
        %bitcast3A_297 = vector.bitcast %sub3A_296 : vector<16xi32> to vector<16xi32>
        %lt3A_298 = arith.constant 36864 : i32
        %lt3A_299 = vector.broadcast %lt3A_298 : i32 to vector<16xi32>
        %lt3A_300 = arith.cmpi ult, %bitcast3A_297, %lt3A_299 : vector<16xi32>
        tpu.vector_store_idx %arg7[%sub3A_296], %get3A_293 masked %lt3A_300 : memref<36864xf32, #tpu.memory_space<vmem>>[vector<16xi32>], vector<16xf32>, vector<16xi1>
        %mul3A_301 = arith.constant 16 : i32
        %mul3A_302 = arith.muli %scan3A_49, %mul3A_301 : i32
        %add3A_303 = arith.constant 15 : i32
        %add3A_304 = arith.addi %mul3A_302, %add3A_303 : i32
        %mul3A_305 = arith.constant 16 : i32
        %mul3A_306 = arith.muli %add3A_304, %mul3A_305 : i32
        %get3A_307 = arith.index_cast %mul3A_306 : i32 to index
        %get3A_308 = tpu.vector_load %arg6[%get3A_307] {strides = array<i32>} : memref<36864xi32, #tpu.memory_space<vmem>>, vector<16xi32>,
        %get3A_309 = arith.index_cast %mul3A_306 : i32 to index
        %get3A_310 = tpu.vector_load %arg5[%get3A_309] {strides = array<i32>} : memref<36864xf32, #tpu.memory_space<vmem>>, vector<16xf32>,
        %sub3A_311 = arith.constant 0 : i32
        %sub3A_312 = vector.broadcast %sub3A_311 : i32 to vector<16xi32>
        %sub3A_313 = arith.subi %get3A_308, %sub3A_312 : vector<16xi32>
        %bitcast3A_314 = vector.bitcast %sub3A_313 : vector<16xi32> to vector<16xi32>
        %lt3A_315 = arith.constant 36864 : i32
        %lt3A_316 = vector.broadcast %lt3A_315 : i32 to vector<16xi32>
        %lt3A_317 = arith.cmpi ult, %bitcast3A_314, %lt3A_316 : vector<16xi32>
        tpu.vector_store_idx %arg7[%sub3A_313], %get3A_310 masked %lt3A_317 : memref<36864xf32, #tpu.memory_space<vmem>>[vector<16xi32>], vector<16xf32>, vector<16xi1>
      }
      %scan3A_18 = arith.constant 144 : i32
      %run_scoped3A = arith.constant 0 : i32
      "tpu.region"() ({
        %run_scoped3A_49 = tpu.sem_alloc : memref<!tpu.dma_semaphore, #tpu.memory_space<semaphore_mem>>
        %dma_start3A = arith.constant 0 : i32
        %dma_start3A_50 = tpu.memref_slice %arg4[%add3A_10, %run_scoped3A, %dma_start3A] : memref<384x4x36864xf32, #tpu.memory_space<hbm>> -> memref<1x1x36864xf32, #tpu.memory_space<hbm>>
        %dma_start3A_51 = tpu.memref_squeeze %dma_start3A_50 : memref<1x1x36864xf32, #tpu.memory_space<hbm>> -> memref<36864xf32, #tpu.memory_space<hbm>>
        %dma_start3A_52 = arith.constant 0 : i32
        %dma_start3A_53 = tpu.memref_slice %arg4[%add3A_10, %run_scoped3A, %dma_start3A_52] : memref<384x4x36864xf32, #tpu.memory_space<hbm>> -> memref<1x1x36864xf32, #tpu.memory_space<hbm>>
        %dma_start3A_54 = tpu.memref_squeeze %dma_start3A_53 : memref<1x1x36864xf32, #tpu.memory_space<hbm>> -> memref<36864xf32, #tpu.memory_space<hbm>>
        tpu.enqueue_dma source(%arg7 : memref<36864xf32, #tpu.memory_space<vmem>>) target(%dma_start3A_54 : memref<36864xf32, #tpu.memory_space<hbm>>) target_semaphore(%run_scoped3A_49 : memref<!tpu.dma_semaphore, #tpu.memory_space<semaphore_mem>>)
        %dma_wait3A = arith.constant 0 : i32
        %dma_wait3A_55 = tpu.memref_slice %arg4[%add3A_10, %run_scoped3A, %dma_wait3A] : memref<384x4x36864xf32, #tpu.memory_space<hbm>> -> memref<1x1x36864xf32, #tpu.memory_space<hbm>>
        %dma_wait3A_56 = tpu.memref_squeeze %dma_wait3A_55 : memref<1x1x36864xf32, #tpu.memory_space<hbm>> -> memref<36864xf32, #tpu.memory_space<hbm>>
        %dma_wait3A_57 = arith.constant 0 : i32
        %dma_wait3A_58 = tpu.memref_slice %arg4[%add3A_10, %run_scoped3A, %dma_wait3A_57] : memref<384x4x36864xf32, #tpu.memory_space<hbm>> -> memref<1x1x36864xf32, #tpu.memory_space<hbm>>
        %dma_wait3A_59 = tpu.memref_squeeze %dma_wait3A_58 : memref<1x1x36864xf32, #tpu.memory_space<hbm>> -> memref<36864xf32, #tpu.memory_space<hbm>>
        tpu.wait_dma2 semaphore(%run_scoped3A_49 : memref<!tpu.dma_semaphore, #tpu.memory_space<semaphore_mem>>) src(%arg7 : memref<36864xf32, #tpu.memory_space<vmem>>) dst(%dma_wait3A_59 : memref<36864xf32, #tpu.memory_space<hbm>>)
        tpu.yield
      }) : () -> ()
      %parallel_loop3A_19 = arith.constant 0 : i32
      %parallel_loop3A_20 = arith.constant 2304 : i32
      %parallel_loop3A_21 = arith.constant 1 : i32
      scf.for %parallel_loop3A_49 = %parallel_loop3A_19 to %parallel_loop3A_20 step %parallel_loop3A_21  : i32 {
        %parallel_loop3A_50 = arith.constant 16 : i32
        %parallel_loop3A_51 = arith.muli %parallel_loop3A_49, %parallel_loop3A_50 : i32
        %parallel_loop3A_52 = arith.index_cast %parallel_loop3A_51 : i32 to index
        %parallel_loop3A_53 = tpu.vector_load %arg7[%parallel_loop3A_52] {strides = array<i32>} : memref<36864xf32, #tpu.memory_space<vmem>>, vector<16xf32>,
        tpu.vector_store %arg7[%parallel_loop3A_52], %broadcast_in_dim3A_1 {strides = array<i32>} : memref<36864xf32, #tpu.memory_space<vmem>>, vector<16xf32>,
      } {sc.loop_unroll_factor = 16 : i64, sc.parallel_access}
      %scan3A_22 = arith.constant 0 : i32
      %scan3A_23 = arith.constant 0 : i32
      %scan3A_24 = arith.constant 144 : i32
      %scan3A_25 = arith.addi %scan3A_23, %scan3A_24 : i32
      %scan3A_26 = arith.constant 1 : i32
      scf.for %scan3A_49 = %scan3A_23 to %scan3A_25 step %scan3A_26  : i32 {
        %mul3A_50 = arith.constant 16 : i32
        %mul3A_51 = arith.muli %scan3A_49, %mul3A_50 : i32
        %add3A_52 = arith.constant 0 : i32
        %add3A_53 = arith.addi %mul3A_51, %add3A_52 : i32
        %mul3A_54 = arith.constant 16 : i32
        %mul3A_55 = arith.muli %add3A_53, %mul3A_54 : i32
        %get3A = arith.index_cast %mul3A_55 : i32 to index
        %get3A_56 = tpu.vector_load %arg6[%get3A] {strides = array<i32>} : memref<36864xi32, #tpu.memory_space<vmem>>, vector<16xi32>,
        %get3A_57 = arith.index_cast %mul3A_55 : i32 to index
        %get3A_58 = tpu.vector_load %arg5[%get3A_57] {strides = array<i32>} : memref<36864xf32, #tpu.memory_space<vmem>>, vector<16xf32>,
        %sub3A = arith.constant 36864 : i32
        %sub3A_59 = vector.broadcast %sub3A : i32 to vector<16xi32>
        %sub3A_60 = arith.subi %get3A_56, %sub3A_59 : vector<16xi32>
        %bitcast3A = vector.bitcast %sub3A_60 : vector<16xi32> to vector<16xi32>
        %lt3A = arith.constant 36864 : i32
        %lt3A_61 = vector.broadcast %lt3A : i32 to vector<16xi32>
        %lt3A_62 = arith.cmpi ult, %bitcast3A, %lt3A_61 : vector<16xi32>
        tpu.vector_store_idx %arg7[%sub3A_60], %get3A_58 masked %lt3A_62 : memref<36864xf32, #tpu.memory_space<vmem>>[vector<16xi32>], vector<16xf32>, vector<16xi1>
        %mul3A_63 = arith.constant 16 : i32
        %mul3A_64 = arith.muli %scan3A_49, %mul3A_63 : i32
        %add3A_65 = arith.constant 1 : i32
        %add3A_66 = arith.addi %mul3A_64, %add3A_65 : i32
        %mul3A_67 = arith.constant 16 : i32
        %mul3A_68 = arith.muli %add3A_66, %mul3A_67 : i32
        %get3A_69 = arith.index_cast %mul3A_68 : i32 to index
        %get3A_70 = tpu.vector_load %arg6[%get3A_69] {strides = array<i32>} : memref<36864xi32, #tpu.memory_space<vmem>>, vector<16xi32>,
        %get3A_71 = arith.index_cast %mul3A_68 : i32 to index
        %get3A_72 = tpu.vector_load %arg5[%get3A_71] {strides = array<i32>} : memref<36864xf32, #tpu.memory_space<vmem>>, vector<16xf32>,
        %sub3A_73 = arith.constant 36864 : i32
        %sub3A_74 = vector.broadcast %sub3A_73 : i32 to vector<16xi32>
        %sub3A_75 = arith.subi %get3A_70, %sub3A_74 : vector<16xi32>
        %bitcast3A_76 = vector.bitcast %sub3A_75 : vector<16xi32> to vector<16xi32>
        %lt3A_77 = arith.constant 36864 : i32
        %lt3A_78 = vector.broadcast %lt3A_77 : i32 to vector<16xi32>
        %lt3A_79 = arith.cmpi ult, %bitcast3A_76, %lt3A_78 : vector<16xi32>
        tpu.vector_store_idx %arg7[%sub3A_75], %get3A_72 masked %lt3A_79 : memref<36864xf32, #tpu.memory_space<vmem>>[vector<16xi32>], vector<16xf32>, vector<16xi1>
        %mul3A_80 = arith.constant 16 : i32
        %mul3A_81 = arith.muli %scan3A_49, %mul3A_80 : i32
        %add3A_82 = arith.constant 2 : i32
        %add3A_83 = arith.addi %mul3A_81, %add3A_82 : i32
        %mul3A_84 = arith.constant 16 : i32
        %mul3A_85 = arith.muli %add3A_83, %mul3A_84 : i32
        %get3A_86 = arith.index_cast %mul3A_85 : i32 to index
        %get3A_87 = tpu.vector_load %arg6[%get3A_86] {strides = array<i32>} : memref<36864xi32, #tpu.memory_space<vmem>>, vector<16xi32>,
        %get3A_88 = arith.index_cast %mul3A_85 : i32 to index
        %get3A_89 = tpu.vector_load %arg5[%get3A_88] {strides = array<i32>} : memref<36864xf32, #tpu.memory_space<vmem>>, vector<16xf32>,
        %sub3A_90 = arith.constant 36864 : i32
        %sub3A_91 = vector.broadcast %sub3A_90 : i32 to vector<16xi32>
        %sub3A_92 = arith.subi %get3A_87, %sub3A_91 : vector<16xi32>
        %bitcast3A_93 = vector.bitcast %sub3A_92 : vector<16xi32> to vector<16xi32>
        %lt3A_94 = arith.constant 36864 : i32
        %lt3A_95 = vector.broadcast %lt3A_94 : i32 to vector<16xi32>
        %lt3A_96 = arith.cmpi ult, %bitcast3A_93, %lt3A_95 : vector<16xi32>
        tpu.vector_store_idx %arg7[%sub3A_92], %get3A_89 masked %lt3A_96 : memref<36864xf32, #tpu.memory_space<vmem>>[vector<16xi32>], vector<16xf32>, vector<16xi1>
        %mul3A_97 = arith.constant 16 : i32
        %mul3A_98 = arith.muli %scan3A_49, %mul3A_97 : i32
        %add3A_99 = arith.constant 3 : i32
        %add3A_100 = arith.addi %mul3A_98, %add3A_99 : i32
        %mul3A_101 = arith.constant 16 : i32
        %mul3A_102 = arith.muli %add3A_100, %mul3A_101 : i32
        %get3A_103 = arith.index_cast %mul3A_102 : i32 to index
        %get3A_104 = tpu.vector_load %arg6[%get3A_103] {strides = array<i32>} : memref<36864xi32, #tpu.memory_space<vmem>>, vector<16xi32>,
        %get3A_105 = arith.index_cast %mul3A_102 : i32 to index
        %get3A_106 = tpu.vector_load %arg5[%get3A_105] {strides = array<i32>} : memref<36864xf32, #tpu.memory_space<vmem>>, vector<16xf32>,
        %sub3A_107 = arith.constant 36864 : i32
        %sub3A_108 = vector.broadcast %sub3A_107 : i32 to vector<16xi32>
        %sub3A_109 = arith.subi %get3A_104, %sub3A_108 : vector<16xi32>
        %bitcast3A_110 = vector.bitcast %sub3A_109 : vector<16xi32> to vector<16xi32>
        %lt3A_111 = arith.constant 36864 : i32
        %lt3A_112 = vector.broadcast %lt3A_111 : i32 to vector<16xi32>
        %lt3A_113 = arith.cmpi ult, %bitcast3A_110, %lt3A_112 : vector<16xi32>
        tpu.vector_store_idx %arg7[%sub3A_109], %get3A_106 masked %lt3A_113 : memref<36864xf32, #tpu.memory_space<vmem>>[vector<16xi32>], vector<16xf32>, vector<16xi1>
        %mul3A_114 = arith.constant 16 : i32
        %mul3A_115 = arith.muli %scan3A_49, %mul3A_114 : i32
        %add3A_116 = arith.constant 4 : i32
        %add3A_117 = arith.addi %mul3A_115, %add3A_116 : i32
        %mul3A_118 = arith.constant 16 : i32
        %mul3A_119 = arith.muli %add3A_117, %mul3A_118 : i32
        %get3A_120 = arith.index_cast %mul3A_119 : i32 to index
        %get3A_121 = tpu.vector_load %arg6[%get3A_120] {strides = array<i32>} : memref<36864xi32, #tpu.memory_space<vmem>>, vector<16xi32>,
        %get3A_122 = arith.index_cast %mul3A_119 : i32 to index
        %get3A_123 = tpu.vector_load %arg5[%get3A_122] {strides = array<i32>} : memref<36864xf32, #tpu.memory_space<vmem>>, vector<16xf32>,
        %sub3A_124 = arith.constant 36864 : i32
        %sub3A_125 = vector.broadcast %sub3A_124 : i32 to vector<16xi32>
        %sub3A_126 = arith.subi %get3A_121, %sub3A_125 : vector<16xi32>
        %bitcast3A_127 = vector.bitcast %sub3A_126 : vector<16xi32> to vector<16xi32>
        %lt3A_128 = arith.constant 36864 : i32
        %lt3A_129 = vector.broadcast %lt3A_128 : i32 to vector<16xi32>
        %lt3A_130 = arith.cmpi ult, %bitcast3A_127, %lt3A_129 : vector<16xi32>
        tpu.vector_store_idx %arg7[%sub3A_126], %get3A_123 masked %lt3A_130 : memref<36864xf32, #tpu.memory_space<vmem>>[vector<16xi32>], vector<16xf32>, vector<16xi1>
        %mul3A_131 = arith.constant 16 : i32
        %mul3A_132 = arith.muli %scan3A_49, %mul3A_131 : i32
        %add3A_133 = arith.constant 5 : i32
        %add3A_134 = arith.addi %mul3A_132, %add3A_133 : i32
        %mul3A_135 = arith.constant 16 : i32
        %mul3A_136 = arith.muli %add3A_134, %mul3A_135 : i32
        %get3A_137 = arith.index_cast %mul3A_136 : i32 to index
        %get3A_138 = tpu.vector_load %arg6[%get3A_137] {strides = array<i32>} : memref<36864xi32, #tpu.memory_space<vmem>>, vector<16xi32>,
        %get3A_139 = arith.index_cast %mul3A_136 : i32 to index
        %get3A_140 = tpu.vector_load %arg5[%get3A_139] {strides = array<i32>} : memref<36864xf32, #tpu.memory_space<vmem>>, vector<16xf32>,
        %sub3A_141 = arith.constant 36864 : i32
        %sub3A_142 = vector.broadcast %sub3A_141 : i32 to vector<16xi32>
        %sub3A_143 = arith.subi %get3A_138, %sub3A_142 : vector<16xi32>
        %bitcast3A_144 = vector.bitcast %sub3A_143 : vector<16xi32> to vector<16xi32>
        %lt3A_145 = arith.constant 36864 : i32
        %lt3A_146 = vector.broadcast %lt3A_145 : i32 to vector<16xi32>
        %lt3A_147 = arith.cmpi ult, %bitcast3A_144, %lt3A_146 : vector<16xi32>
        tpu.vector_store_idx %arg7[%sub3A_143], %get3A_140 masked %lt3A_147 : memref<36864xf32, #tpu.memory_space<vmem>>[vector<16xi32>], vector<16xf32>, vector<16xi1>
        %mul3A_148 = arith.constant 16 : i32
        %mul3A_149 = arith.muli %scan3A_49, %mul3A_148 : i32
        %add3A_150 = arith.constant 6 : i32
        %add3A_151 = arith.addi %mul3A_149, %add3A_150 : i32
        %mul3A_152 = arith.constant 16 : i32
        %mul3A_153 = arith.muli %add3A_151, %mul3A_152 : i32
        %get3A_154 = arith.index_cast %mul3A_153 : i32 to index
        %get3A_155 = tpu.vector_load %arg6[%get3A_154] {strides = array<i32>} : memref<36864xi32, #tpu.memory_space<vmem>>, vector<16xi32>,
        %get3A_156 = arith.index_cast %mul3A_153 : i32 to index
        %get3A_157 = tpu.vector_load %arg5[%get3A_156] {strides = array<i32>} : memref<36864xf32, #tpu.memory_space<vmem>>, vector<16xf32>,
        %sub3A_158 = arith.constant 36864 : i32
        %sub3A_159 = vector.broadcast %sub3A_158 : i32 to vector<16xi32>
        %sub3A_160 = arith.subi %get3A_155, %sub3A_159 : vector<16xi32>
        %bitcast3A_161 = vector.bitcast %sub3A_160 : vector<16xi32> to vector<16xi32>
        %lt3A_162 = arith.constant 36864 : i32
        %lt3A_163 = vector.broadcast %lt3A_162 : i32 to vector<16xi32>
        %lt3A_164 = arith.cmpi ult, %bitcast3A_161, %lt3A_163 : vector<16xi32>
        tpu.vector_store_idx %arg7[%sub3A_160], %get3A_157 masked %lt3A_164 : memref<36864xf32, #tpu.memory_space<vmem>>[vector<16xi32>], vector<16xf32>, vector<16xi1>
        %mul3A_165 = arith.constant 16 : i32
        %mul3A_166 = arith.muli %scan3A_49, %mul3A_165 : i32
        %add3A_167 = arith.constant 7 : i32
        %add3A_168 = arith.addi %mul3A_166, %add3A_167 : i32
        %mul3A_169 = arith.constant 16 : i32
        %mul3A_170 = arith.muli %add3A_168, %mul3A_169 : i32
        %get3A_171 = arith.index_cast %mul3A_170 : i32 to index
        %get3A_172 = tpu.vector_load %arg6[%get3A_171] {strides = array<i32>} : memref<36864xi32, #tpu.memory_space<vmem>>, vector<16xi32>,
        %get3A_173 = arith.index_cast %mul3A_170 : i32 to index
        %get3A_174 = tpu.vector_load %arg5[%get3A_173] {strides = array<i32>} : memref<36864xf32, #tpu.memory_space<vmem>>, vector<16xf32>,
        %sub3A_175 = arith.constant 36864 : i32
        %sub3A_176 = vector.broadcast %sub3A_175 : i32 to vector<16xi32>
        %sub3A_177 = arith.subi %get3A_172, %sub3A_176 : vector<16xi32>
        %bitcast3A_178 = vector.bitcast %sub3A_177 : vector<16xi32> to vector<16xi32>
        %lt3A_179 = arith.constant 36864 : i32
        %lt3A_180 = vector.broadcast %lt3A_179 : i32 to vector<16xi32>
        %lt3A_181 = arith.cmpi ult, %bitcast3A_178, %lt3A_180 : vector<16xi32>
        tpu.vector_store_idx %arg7[%sub3A_177], %get3A_174 masked %lt3A_181 : memref<36864xf32, #tpu.memory_space<vmem>>[vector<16xi32>], vector<16xf32>, vector<16xi1>
        %mul3A_182 = arith.constant 16 : i32
        %mul3A_183 = arith.muli %scan3A_49, %mul3A_182 : i32
        %add3A_184 = arith.constant 8 : i32
        %add3A_185 = arith.addi %mul3A_183, %add3A_184 : i32
        %mul3A_186 = arith.constant 16 : i32
        %mul3A_187 = arith.muli %add3A_185, %mul3A_186 : i32
        %get3A_188 = arith.index_cast %mul3A_187 : i32 to index
        %get3A_189 = tpu.vector_load %arg6[%get3A_188] {strides = array<i32>} : memref<36864xi32, #tpu.memory_space<vmem>>, vector<16xi32>,
        %get3A_190 = arith.index_cast %mul3A_187 : i32 to index
        %get3A_191 = tpu.vector_load %arg5[%get3A_190] {strides = array<i32>} : memref<36864xf32, #tpu.memory_space<vmem>>, vector<16xf32>,
        %sub3A_192 = arith.constant 36864 : i32
        %sub3A_193 = vector.broadcast %sub3A_192 : i32 to vector<16xi32>
        %sub3A_194 = arith.subi %get3A_189, %sub3A_193 : vector<16xi32>
        %bitcast3A_195 = vector.bitcast %sub3A_194 : vector<16xi32> to vector<16xi32>
        %lt3A_196 = arith.constant 36864 : i32
        %lt3A_197 = vector.broadcast %lt3A_196 : i32 to vector<16xi32>
        %lt3A_198 = arith.cmpi ult, %bitcast3A_195, %lt3A_197 : vector<16xi32>
        tpu.vector_store_idx %arg7[%sub3A_194], %get3A_191 masked %lt3A_198 : memref<36864xf32, #tpu.memory_space<vmem>>[vector<16xi32>], vector<16xf32>, vector<16xi1>
        %mul3A_199 = arith.constant 16 : i32
        %mul3A_200 = arith.muli %scan3A_49, %mul3A_199 : i32
        %add3A_201 = arith.constant 9 : i32
        %add3A_202 = arith.addi %mul3A_200, %add3A_201 : i32
        %mul3A_203 = arith.constant 16 : i32
        %mul3A_204 = arith.muli %add3A_202, %mul3A_203 : i32
        %get3A_205 = arith.index_cast %mul3A_204 : i32 to index
        %get3A_206 = tpu.vector_load %arg6[%get3A_205] {strides = array<i32>} : memref<36864xi32, #tpu.memory_space<vmem>>, vector<16xi32>,
        %get3A_207 = arith.index_cast %mul3A_204 : i32 to index
        %get3A_208 = tpu.vector_load %arg5[%get3A_207] {strides = array<i32>} : memref<36864xf32, #tpu.memory_space<vmem>>, vector<16xf32>,
        %sub3A_209 = arith.constant 36864 : i32
        %sub3A_210 = vector.broadcast %sub3A_209 : i32 to vector<16xi32>
        %sub3A_211 = arith.subi %get3A_206, %sub3A_210 : vector<16xi32>
        %bitcast3A_212 = vector.bitcast %sub3A_211 : vector<16xi32> to vector<16xi32>
        %lt3A_213 = arith.constant 36864 : i32
        %lt3A_214 = vector.broadcast %lt3A_213 : i32 to vector<16xi32>
        %lt3A_215 = arith.cmpi ult, %bitcast3A_212, %lt3A_214 : vector<16xi32>
        tpu.vector_store_idx %arg7[%sub3A_211], %get3A_208 masked %lt3A_215 : memref<36864xf32, #tpu.memory_space<vmem>>[vector<16xi32>], vector<16xf32>, vector<16xi1>
        %mul3A_216 = arith.constant 16 : i32
        %mul3A_217 = arith.muli %scan3A_49, %mul3A_216 : i32
        %add3A_218 = arith.constant 10 : i32
        %add3A_219 = arith.addi %mul3A_217, %add3A_218 : i32
        %mul3A_220 = arith.constant 16 : i32
        %mul3A_221 = arith.muli %add3A_219, %mul3A_220 : i32
        %get3A_222 = arith.index_cast %mul3A_221 : i32 to index
        %get3A_223 = tpu.vector_load %arg6[%get3A_222] {strides = array<i32>} : memref<36864xi32, #tpu.memory_space<vmem>>, vector<16xi32>,
        %get3A_224 = arith.index_cast %mul3A_221 : i32 to index
        %get3A_225 = tpu.vector_load %arg5[%get3A_224] {strides = array<i32>} : memref<36864xf32, #tpu.memory_space<vmem>>, vector<16xf32>,
        %sub3A_226 = arith.constant 36864 : i32
        %sub3A_227 = vector.broadcast %sub3A_226 : i32 to vector<16xi32>
        %sub3A_228 = arith.subi %get3A_223, %sub3A_227 : vector<16xi32>
        %bitcast3A_229 = vector.bitcast %sub3A_228 : vector<16xi32> to vector<16xi32>
        %lt3A_230 = arith.constant 36864 : i32
        %lt3A_231 = vector.broadcast %lt3A_230 : i32 to vector<16xi32>
        %lt3A_232 = arith.cmpi ult, %bitcast3A_229, %lt3A_231 : vector<16xi32>
        tpu.vector_store_idx %arg7[%sub3A_228], %get3A_225 masked %lt3A_232 : memref<36864xf32, #tpu.memory_space<vmem>>[vector<16xi32>], vector<16xf32>, vector<16xi1>
        %mul3A_233 = arith.constant 16 : i32
        %mul3A_234 = arith.muli %scan3A_49, %mul3A_233 : i32
        %add3A_235 = arith.constant 11 : i32
        %add3A_236 = arith.addi %mul3A_234, %add3A_235 : i32
        %mul3A_237 = arith.constant 16 : i32
        %mul3A_238 = arith.muli %add3A_236, %mul3A_237 : i32
        %get3A_239 = arith.index_cast %mul3A_238 : i32 to index
        %get3A_240 = tpu.vector_load %arg6[%get3A_239] {strides = array<i32>} : memref<36864xi32, #tpu.memory_space<vmem>>, vector<16xi32>,
        %get3A_241 = arith.index_cast %mul3A_238 : i32 to index
        %get3A_242 = tpu.vector_load %arg5[%get3A_241] {strides = array<i32>} : memref<36864xf32, #tpu.memory_space<vmem>>, vector<16xf32>,
        %sub3A_243 = arith.constant 36864 : i32
        %sub3A_244 = vector.broadcast %sub3A_243 : i32 to vector<16xi32>
        %sub3A_245 = arith.subi %get3A_240, %sub3A_244 : vector<16xi32>
        %bitcast3A_246 = vector.bitcast %sub3A_245 : vector<16xi32> to vector<16xi32>
        %lt3A_247 = arith.constant 36864 : i32
        %lt3A_248 = vector.broadcast %lt3A_247 : i32 to vector<16xi32>
        %lt3A_249 = arith.cmpi ult, %bitcast3A_246, %lt3A_248 : vector<16xi32>
        tpu.vector_store_idx %arg7[%sub3A_245], %get3A_242 masked %lt3A_249 : memref<36864xf32, #tpu.memory_space<vmem>>[vector<16xi32>], vector<16xf32>, vector<16xi1>
        %mul3A_250 = arith.constant 16 : i32
        %mul3A_251 = arith.muli %scan3A_49, %mul3A_250 : i32
        %add3A_252 = arith.constant 12 : i32
        %add3A_253 = arith.addi %mul3A_251, %add3A_252 : i32
        %mul3A_254 = arith.constant 16 : i32
        %mul3A_255 = arith.muli %add3A_253, %mul3A_254 : i32
        %get3A_256 = arith.index_cast %mul3A_255 : i32 to index
        %get3A_257 = tpu.vector_load %arg6[%get3A_256] {strides = array<i32>} : memref<36864xi32, #tpu.memory_space<vmem>>, vector<16xi32>,
        %get3A_258 = arith.index_cast %mul3A_255 : i32 to index
        %get3A_259 = tpu.vector_load %arg5[%get3A_258] {strides = array<i32>} : memref<36864xf32, #tpu.memory_space<vmem>>, vector<16xf32>,
        %sub3A_260 = arith.constant 36864 : i32
        %sub3A_261 = vector.broadcast %sub3A_260 : i32 to vector<16xi32>
        %sub3A_262 = arith.subi %get3A_257, %sub3A_261 : vector<16xi32>
        %bitcast3A_263 = vector.bitcast %sub3A_262 : vector<16xi32> to vector<16xi32>
        %lt3A_264 = arith.constant 36864 : i32
        %lt3A_265 = vector.broadcast %lt3A_264 : i32 to vector<16xi32>
        %lt3A_266 = arith.cmpi ult, %bitcast3A_263, %lt3A_265 : vector<16xi32>
        tpu.vector_store_idx %arg7[%sub3A_262], %get3A_259 masked %lt3A_266 : memref<36864xf32, #tpu.memory_space<vmem>>[vector<16xi32>], vector<16xf32>, vector<16xi1>
        %mul3A_267 = arith.constant 16 : i32
        %mul3A_268 = arith.muli %scan3A_49, %mul3A_267 : i32
        %add3A_269 = arith.constant 13 : i32
        %add3A_270 = arith.addi %mul3A_268, %add3A_269 : i32
        %mul3A_271 = arith.constant 16 : i32
        %mul3A_272 = arith.muli %add3A_270, %mul3A_271 : i32
        %get3A_273 = arith.index_cast %mul3A_272 : i32 to index
        %get3A_274 = tpu.vector_load %arg6[%get3A_273] {strides = array<i32>} : memref<36864xi32, #tpu.memory_space<vmem>>, vector<16xi32>,
        %get3A_275 = arith.index_cast %mul3A_272 : i32 to index
        %get3A_276 = tpu.vector_load %arg5[%get3A_275] {strides = array<i32>} : memref<36864xf32, #tpu.memory_space<vmem>>, vector<16xf32>,
        %sub3A_277 = arith.constant 36864 : i32
        %sub3A_278 = vector.broadcast %sub3A_277 : i32 to vector<16xi32>
        %sub3A_279 = arith.subi %get3A_274, %sub3A_278 : vector<16xi32>
        %bitcast3A_280 = vector.bitcast %sub3A_279 : vector<16xi32> to vector<16xi32>
        %lt3A_281 = arith.constant 36864 : i32
        %lt3A_282 = vector.broadcast %lt3A_281 : i32 to vector<16xi32>
        %lt3A_283 = arith.cmpi ult, %bitcast3A_280, %lt3A_282 : vector<16xi32>
        tpu.vector_store_idx %arg7[%sub3A_279], %get3A_276 masked %lt3A_283 : memref<36864xf32, #tpu.memory_space<vmem>>[vector<16xi32>], vector<16xf32>, vector<16xi1>
        %mul3A_284 = arith.constant 16 : i32
        %mul3A_285 = arith.muli %scan3A_49, %mul3A_284 : i32
        %add3A_286 = arith.constant 14 : i32
        %add3A_287 = arith.addi %mul3A_285, %add3A_286 : i32
        %mul3A_288 = arith.constant 16 : i32
        %mul3A_289 = arith.muli %add3A_287, %mul3A_288 : i32
        %get3A_290 = arith.index_cast %mul3A_289 : i32 to index
        %get3A_291 = tpu.vector_load %arg6[%get3A_290] {strides = array<i32>} : memref<36864xi32, #tpu.memory_space<vmem>>, vector<16xi32>,
        %get3A_292 = arith.index_cast %mul3A_289 : i32 to index
        %get3A_293 = tpu.vector_load %arg5[%get3A_292] {strides = array<i32>} : memref<36864xf32, #tpu.memory_space<vmem>>, vector<16xf32>,
        %sub3A_294 = arith.constant 36864 : i32
        %sub3A_295 = vector.broadcast %sub3A_294 : i32 to vector<16xi32>
        %sub3A_296 = arith.subi %get3A_291, %sub3A_295 : vector<16xi32>
        %bitcast3A_297 = vector.bitcast %sub3A_296 : vector<16xi32> to vector<16xi32>
        %lt3A_298 = arith.constant 36864 : i32
        %lt3A_299 = vector.broadcast %lt3A_298 : i32 to vector<16xi32>
        %lt3A_300 = arith.cmpi ult, %bitcast3A_297, %lt3A_299 : vector<16xi32>
        tpu.vector_store_idx %arg7[%sub3A_296], %get3A_293 masked %lt3A_300 : memref<36864xf32, #tpu.memory_space<vmem>>[vector<16xi32>], vector<16xf32>, vector<16xi1>
        %mul3A_301 = arith.constant 16 : i32
        %mul3A_302 = arith.muli %scan3A_49, %mul3A_301 : i32
        %add3A_303 = arith.constant 15 : i32
        %add3A_304 = arith.addi %mul3A_302, %add3A_303 : i32
        %mul3A_305 = arith.constant 16 : i32
        %mul3A_306 = arith.muli %add3A_304, %mul3A_305 : i32
        %get3A_307 = arith.index_cast %mul3A_306 : i32 to index
        %get3A_308 = tpu.vector_load %arg6[%get3A_307] {strides = array<i32>} : memref<36864xi32, #tpu.memory_space<vmem>>, vector<16xi32>,
        %get3A_309 = arith.index_cast %mul3A_306 : i32 to index
        %get3A_310 = tpu.vector_load %arg5[%get3A_309] {strides = array<i32>} : memref<36864xf32, #tpu.memory_space<vmem>>, vector<16xf32>,
        %sub3A_311 = arith.constant 36864 : i32
        %sub3A_312 = vector.broadcast %sub3A_311 : i32 to vector<16xi32>
        %sub3A_313 = arith.subi %get3A_308, %sub3A_312 : vector<16xi32>
        %bitcast3A_314 = vector.bitcast %sub3A_313 : vector<16xi32> to vector<16xi32>
        %lt3A_315 = arith.constant 36864 : i32
        %lt3A_316 = vector.broadcast %lt3A_315 : i32 to vector<16xi32>
        %lt3A_317 = arith.cmpi ult, %bitcast3A_314, %lt3A_316 : vector<16xi32>
        tpu.vector_store_idx %arg7[%sub3A_313], %get3A_310 masked %lt3A_317 : memref<36864xf32, #tpu.memory_space<vmem>>[vector<16xi32>], vector<16xf32>, vector<16xi1>
      }
      %scan3A_27 = arith.constant 144 : i32
      %run_scoped3A_28 = arith.constant 1 : i32
      "tpu.region"() ({
        %run_scoped3A_49 = tpu.sem_alloc : memref<!tpu.dma_semaphore, #tpu.memory_space<semaphore_mem>>
        %dma_start3A = arith.constant 0 : i32
        %dma_start3A_50 = tpu.memref_slice %arg4[%add3A_10, %run_scoped3A_28, %dma_start3A] : memref<384x4x36864xf32, #tpu.memory_space<hbm>> -> memref<1x1x36864xf32, #tpu.memory_space<hbm>>
        %dma_start3A_51 = tpu.memref_squeeze %dma_start3A_50 : memref<1x1x36864xf32, #tpu.memory_space<hbm>> -> memref<36864xf32, #tpu.memory_space<hbm>>
        %dma_start3A_52 = arith.constant 0 : i32
        %dma_start3A_53 = tpu.memref_slice %arg4[%add3A_10, %run_scoped3A_28, %dma_start3A_52] : memref<384x4x36864xf32, #tpu.memory_space<hbm>> -> memref<1x1x36864xf32, #tpu.memory_space<hbm>>
        %dma_start3A_54 = tpu.memref_squeeze %dma_start3A_53 : memref<1x1x36864xf32, #tpu.memory_space<hbm>> -> memref<36864xf32, #tpu.memory_space<hbm>>
        tpu.enqueue_dma source(%arg7 : memref<36864xf32, #tpu.memory_space<vmem>>) target(%dma_start3A_54 : memref<36864xf32, #tpu.memory_space<hbm>>) target_semaphore(%run_scoped3A_49 : memref<!tpu.dma_semaphore, #tpu.memory_space<semaphore_mem>>)
        %dma_wait3A = arith.constant 0 : i32
        %dma_wait3A_55 = tpu.memref_slice %arg4[%add3A_10, %run_scoped3A_28, %dma_wait3A] : memref<384x4x36864xf32, #tpu.memory_space<hbm>> -> memref<1x1x36864xf32, #tpu.memory_space<hbm>>
        %dma_wait3A_56 = tpu.memref_squeeze %dma_wait3A_55 : memref<1x1x36864xf32, #tpu.memory_space<hbm>> -> memref<36864xf32, #tpu.memory_space<hbm>>
        %dma_wait3A_57 = arith.constant 0 : i32
        %dma_wait3A_58 = tpu.memref_slice %arg4[%add3A_10, %run_scoped3A_28, %dma_wait3A_57] : memref<384x4x36864xf32, #tpu.memory_space<hbm>> -> memref<1x1x36864xf32, #tpu.memory_space<hbm>>
        %dma_wait3A_59 = tpu.memref_squeeze %dma_wait3A_58 : memref<1x1x36864xf32, #tpu.memory_space<hbm>> -> memref<36864xf32, #tpu.memory_space<hbm>>
        tpu.wait_dma2 semaphore(%run_scoped3A_49 : memref<!tpu.dma_semaphore, #tpu.memory_space<semaphore_mem>>) src(%arg7 : memref<36864xf32, #tpu.memory_space<vmem>>) dst(%dma_wait3A_59 : memref<36864xf32, #tpu.memory_space<hbm>>)
        tpu.yield
      }) : () -> ()
      %parallel_loop3A_29 = arith.constant 0 : i32
      %parallel_loop3A_30 = arith.constant 2304 : i32
      %parallel_loop3A_31 = arith.constant 1 : i32
      scf.for %parallel_loop3A_49 = %parallel_loop3A_29 to %parallel_loop3A_30 step %parallel_loop3A_31  : i32 {
        %parallel_loop3A_50 = arith.constant 16 : i32
        %parallel_loop3A_51 = arith.muli %parallel_loop3A_49, %parallel_loop3A_50 : i32
        %parallel_loop3A_52 = arith.index_cast %parallel_loop3A_51 : i32 to index
        %parallel_loop3A_53 = tpu.vector_load %arg7[%parallel_loop3A_52] {strides = array<i32>} : memref<36864xf32, #tpu.memory_space<vmem>>, vector<16xf32>,
        tpu.vector_store %arg7[%parallel_loop3A_52], %broadcast_in_dim3A_1 {strides = array<i32>} : memref<36864xf32, #tpu.memory_space<vmem>>, vector<16xf32>,
      } {sc.loop_unroll_factor = 16 : i64, sc.parallel_access}
      %scan3A_32 = arith.constant 0 : i32
      %scan3A_33 = arith.constant 0 : i32
      %scan3A_34 = arith.constant 144 : i32
      %scan3A_35 = arith.addi %scan3A_33, %scan3A_34 : i32
      %scan3A_36 = arith.constant 1 : i32
      scf.for %scan3A_49 = %scan3A_33 to %scan3A_35 step %scan3A_36  : i32 {
        %mul3A_50 = arith.constant 16 : i32
        %mul3A_51 = arith.muli %scan3A_49, %mul3A_50 : i32
        %add3A_52 = arith.constant 0 : i32
        %add3A_53 = arith.addi %mul3A_51, %add3A_52 : i32
        %mul3A_54 = arith.constant 16 : i32
        %mul3A_55 = arith.muli %add3A_53, %mul3A_54 : i32
        %get3A = arith.index_cast %mul3A_55 : i32 to index
        %get3A_56 = tpu.vector_load %arg6[%get3A] {strides = array<i32>} : memref<36864xi32, #tpu.memory_space<vmem>>, vector<16xi32>,
        %get3A_57 = arith.index_cast %mul3A_55 : i32 to index
        %get3A_58 = tpu.vector_load %arg5[%get3A_57] {strides = array<i32>} : memref<36864xf32, #tpu.memory_space<vmem>>, vector<16xf32>,
        %sub3A = arith.constant 73728 : i32
        %sub3A_59 = vector.broadcast %sub3A : i32 to vector<16xi32>
        %sub3A_60 = arith.subi %get3A_56, %sub3A_59 : vector<16xi32>
        %bitcast3A = vector.bitcast %sub3A_60 : vector<16xi32> to vector<16xi32>
        %lt3A = arith.constant 36864 : i32
        %lt3A_61 = vector.broadcast %lt3A : i32 to vector<16xi32>
        %lt3A_62 = arith.cmpi ult, %bitcast3A, %lt3A_61 : vector<16xi32>
        tpu.vector_store_idx %arg7[%sub3A_60], %get3A_58 masked %lt3A_62 : memref<36864xf32, #tpu.memory_space<vmem>>[vector<16xi32>], vector<16xf32>, vector<16xi1>
        %mul3A_63 = arith.constant 16 : i32
        %mul3A_64 = arith.muli %scan3A_49, %mul3A_63 : i32
        %add3A_65 = arith.constant 1 : i32
        %add3A_66 = arith.addi %mul3A_64, %add3A_65 : i32
        %mul3A_67 = arith.constant 16 : i32
        %mul3A_68 = arith.muli %add3A_66, %mul3A_67 : i32
        %get3A_69 = arith.index_cast %mul3A_68 : i32 to index
        %get3A_70 = tpu.vector_load %arg6[%get3A_69] {strides = array<i32>} : memref<36864xi32, #tpu.memory_space<vmem>>, vector<16xi32>,
        %get3A_71 = arith.index_cast %mul3A_68 : i32 to index
        %get3A_72 = tpu.vector_load %arg5[%get3A_71] {strides = array<i32>} : memref<36864xf32, #tpu.memory_space<vmem>>, vector<16xf32>,
        %sub3A_73 = arith.constant 73728 : i32
        %sub3A_74 = vector.broadcast %sub3A_73 : i32 to vector<16xi32>
        %sub3A_75 = arith.subi %get3A_70, %sub3A_74 : vector<16xi32>
        %bitcast3A_76 = vector.bitcast %sub3A_75 : vector<16xi32> to vector<16xi32>
        %lt3A_77 = arith.constant 36864 : i32
        %lt3A_78 = vector.broadcast %lt3A_77 : i32 to vector<16xi32>
        %lt3A_79 = arith.cmpi ult, %bitcast3A_76, %lt3A_78 : vector<16xi32>
        tpu.vector_store_idx %arg7[%sub3A_75], %get3A_72 masked %lt3A_79 : memref<36864xf32, #tpu.memory_space<vmem>>[vector<16xi32>], vector<16xf32>, vector<16xi1>
        %mul3A_80 = arith.constant 16 : i32
        %mul3A_81 = arith.muli %scan3A_49, %mul3A_80 : i32
        %add3A_82 = arith.constant 2 : i32
        %add3A_83 = arith.addi %mul3A_81, %add3A_82 : i32
        %mul3A_84 = arith.constant 16 : i32
        %mul3A_85 = arith.muli %add3A_83, %mul3A_84 : i32
        %get3A_86 = arith.index_cast %mul3A_85 : i32 to index
        %get3A_87 = tpu.vector_load %arg6[%get3A_86] {strides = array<i32>} : memref<36864xi32, #tpu.memory_space<vmem>>, vector<16xi32>,
        %get3A_88 = arith.index_cast %mul3A_85 : i32 to index
        %get3A_89 = tpu.vector_load %arg5[%get3A_88] {strides = array<i32>} : memref<36864xf32, #tpu.memory_space<vmem>>, vector<16xf32>,
        %sub3A_90 = arith.constant 73728 : i32
        %sub3A_91 = vector.broadcast %sub3A_90 : i32 to vector<16xi32>
        %sub3A_92 = arith.subi %get3A_87, %sub3A_91 : vector<16xi32>
        %bitcast3A_93 = vector.bitcast %sub3A_92 : vector<16xi32> to vector<16xi32>
        %lt3A_94 = arith.constant 36864 : i32
        %lt3A_95 = vector.broadcast %lt3A_94 : i32 to vector<16xi32>
        %lt3A_96 = arith.cmpi ult, %bitcast3A_93, %lt3A_95 : vector<16xi32>
        tpu.vector_store_idx %arg7[%sub3A_92], %get3A_89 masked %lt3A_96 : memref<36864xf32, #tpu.memory_space<vmem>>[vector<16xi32>], vector<16xf32>, vector<16xi1>
        %mul3A_97 = arith.constant 16 : i32
        %mul3A_98 = arith.muli %scan3A_49, %mul3A_97 : i32
        %add3A_99 = arith.constant 3 : i32
        %add3A_100 = arith.addi %mul3A_98, %add3A_99 : i32
        %mul3A_101 = arith.constant 16 : i32
        %mul3A_102 = arith.muli %add3A_100, %mul3A_101 : i32
        %get3A_103 = arith.index_cast %mul3A_102 : i32 to index
        %get3A_104 = tpu.vector_load %arg6[%get3A_103] {strides = array<i32>} : memref<36864xi32, #tpu.memory_space<vmem>>, vector<16xi32>,
        %get3A_105 = arith.index_cast %mul3A_102 : i32 to index
        %get3A_106 = tpu.vector_load %arg5[%get3A_105] {strides = array<i32>} : memref<36864xf32, #tpu.memory_space<vmem>>, vector<16xf32>,
        %sub3A_107 = arith.constant 73728 : i32
        %sub3A_108 = vector.broadcast %sub3A_107 : i32 to vector<16xi32>
        %sub3A_109 = arith.subi %get3A_104, %sub3A_108 : vector<16xi32>
        %bitcast3A_110 = vector.bitcast %sub3A_109 : vector<16xi32> to vector<16xi32>
        %lt3A_111 = arith.constant 36864 : i32
        %lt3A_112 = vector.broadcast %lt3A_111 : i32 to vector<16xi32>
        %lt3A_113 = arith.cmpi ult, %bitcast3A_110, %lt3A_112 : vector<16xi32>
        tpu.vector_store_idx %arg7[%sub3A_109], %get3A_106 masked %lt3A_113 : memref<36864xf32, #tpu.memory_space<vmem>>[vector<16xi32>], vector<16xf32>, vector<16xi1>
        %mul3A_114 = arith.constant 16 : i32
        %mul3A_115 = arith.muli %scan3A_49, %mul3A_114 : i32
        %add3A_116 = arith.constant 4 : i32
        %add3A_117 = arith.addi %mul3A_115, %add3A_116 : i32
        %mul3A_118 = arith.constant 16 : i32
        %mul3A_119 = arith.muli %add3A_117, %mul3A_118 : i32
        %get3A_120 = arith.index_cast %mul3A_119 : i32 to index
        %get3A_121 = tpu.vector_load %arg6[%get3A_120] {strides = array<i32>} : memref<36864xi32, #tpu.memory_space<vmem>>, vector<16xi32>,
        %get3A_122 = arith.index_cast %mul3A_119 : i32 to index
        %get3A_123 = tpu.vector_load %arg5[%get3A_122] {strides = array<i32>} : memref<36864xf32, #tpu.memory_space<vmem>>, vector<16xf32>,
        %sub3A_124 = arith.constant 73728 : i32
        %sub3A_125 = vector.broadcast %sub3A_124 : i32 to vector<16xi32>
        %sub3A_126 = arith.subi %get3A_121, %sub3A_125 : vector<16xi32>
        %bitcast3A_127 = vector.bitcast %sub3A_126 : vector<16xi32> to vector<16xi32>
        %lt3A_128 = arith.constant 36864 : i32
        %lt3A_129 = vector.broadcast %lt3A_128 : i32 to vector<16xi32>
        %lt3A_130 = arith.cmpi ult, %bitcast3A_127, %lt3A_129 : vector<16xi32>
        tpu.vector_store_idx %arg7[%sub3A_126], %get3A_123 masked %lt3A_130 : memref<36864xf32, #tpu.memory_space<vmem>>[vector<16xi32>], vector<16xf32>, vector<16xi1>
        %mul3A_131 = arith.constant 16 : i32
        %mul3A_132 = arith.muli %scan3A_49, %mul3A_131 : i32
        %add3A_133 = arith.constant 5 : i32
        %add3A_134 = arith.addi %mul3A_132, %add3A_133 : i32
        %mul3A_135 = arith.constant 16 : i32
        %mul3A_136 = arith.muli %add3A_134, %mul3A_135 : i32
        %get3A_137 = arith.index_cast %mul3A_136 : i32 to index
        %get3A_138 = tpu.vector_load %arg6[%get3A_137] {strides = array<i32>} : memref<36864xi32, #tpu.memory_space<vmem>>, vector<16xi32>,
        %get3A_139 = arith.index_cast %mul3A_136 : i32 to index
        %get3A_140 = tpu.vector_load %arg5[%get3A_139] {strides = array<i32>} : memref<36864xf32, #tpu.memory_space<vmem>>, vector<16xf32>,
        %sub3A_141 = arith.constant 73728 : i32
        %sub3A_142 = vector.broadcast %sub3A_141 : i32 to vector<16xi32>
        %sub3A_143 = arith.subi %get3A_138, %sub3A_142 : vector<16xi32>
        %bitcast3A_144 = vector.bitcast %sub3A_143 : vector<16xi32> to vector<16xi32>
        %lt3A_145 = arith.constant 36864 : i32
        %lt3A_146 = vector.broadcast %lt3A_145 : i32 to vector<16xi32>
        %lt3A_147 = arith.cmpi ult, %bitcast3A_144, %lt3A_146 : vector<16xi32>
        tpu.vector_store_idx %arg7[%sub3A_143], %get3A_140 masked %lt3A_147 : memref<36864xf32, #tpu.memory_space<vmem>>[vector<16xi32>], vector<16xf32>, vector<16xi1>
        %mul3A_148 = arith.constant 16 : i32
        %mul3A_149 = arith.muli %scan3A_49, %mul3A_148 : i32
        %add3A_150 = arith.constant 6 : i32
        %add3A_151 = arith.addi %mul3A_149, %add3A_150 : i32
        %mul3A_152 = arith.constant 16 : i32
        %mul3A_153 = arith.muli %add3A_151, %mul3A_152 : i32
        %get3A_154 = arith.index_cast %mul3A_153 : i32 to index
        %get3A_155 = tpu.vector_load %arg6[%get3A_154] {strides = array<i32>} : memref<36864xi32, #tpu.memory_space<vmem>>, vector<16xi32>,
        %get3A_156 = arith.index_cast %mul3A_153 : i32 to index
        %get3A_157 = tpu.vector_load %arg5[%get3A_156] {strides = array<i32>} : memref<36864xf32, #tpu.memory_space<vmem>>, vector<16xf32>,
        %sub3A_158 = arith.constant 73728 : i32
        %sub3A_159 = vector.broadcast %sub3A_158 : i32 to vector<16xi32>
        %sub3A_160 = arith.subi %get3A_155, %sub3A_159 : vector<16xi32>
        %bitcast3A_161 = vector.bitcast %sub3A_160 : vector<16xi32> to vector<16xi32>
        %lt3A_162 = arith.constant 36864 : i32
        %lt3A_163 = vector.broadcast %lt3A_162 : i32 to vector<16xi32>
        %lt3A_164 = arith.cmpi ult, %bitcast3A_161, %lt3A_163 : vector<16xi32>
        tpu.vector_store_idx %arg7[%sub3A_160], %get3A_157 masked %lt3A_164 : memref<36864xf32, #tpu.memory_space<vmem>>[vector<16xi32>], vector<16xf32>, vector<16xi1>
        %mul3A_165 = arith.constant 16 : i32
        %mul3A_166 = arith.muli %scan3A_49, %mul3A_165 : i32
        %add3A_167 = arith.constant 7 : i32
        %add3A_168 = arith.addi %mul3A_166, %add3A_167 : i32
        %mul3A_169 = arith.constant 16 : i32
        %mul3A_170 = arith.muli %add3A_168, %mul3A_169 : i32
        %get3A_171 = arith.index_cast %mul3A_170 : i32 to index
        %get3A_172 = tpu.vector_load %arg6[%get3A_171] {strides = array<i32>} : memref<36864xi32, #tpu.memory_space<vmem>>, vector<16xi32>,
        %get3A_173 = arith.index_cast %mul3A_170 : i32 to index
        %get3A_174 = tpu.vector_load %arg5[%get3A_173] {strides = array<i32>} : memref<36864xf32, #tpu.memory_space<vmem>>, vector<16xf32>,
        %sub3A_175 = arith.constant 73728 : i32
        %sub3A_176 = vector.broadcast %sub3A_175 : i32 to vector<16xi32>
        %sub3A_177 = arith.subi %get3A_172, %sub3A_176 : vector<16xi32>
        %bitcast3A_178 = vector.bitcast %sub3A_177 : vector<16xi32> to vector<16xi32>
        %lt3A_179 = arith.constant 36864 : i32
        %lt3A_180 = vector.broadcast %lt3A_179 : i32 to vector<16xi32>
        %lt3A_181 = arith.cmpi ult, %bitcast3A_178, %lt3A_180 : vector<16xi32>
        tpu.vector_store_idx %arg7[%sub3A_177], %get3A_174 masked %lt3A_181 : memref<36864xf32, #tpu.memory_space<vmem>>[vector<16xi32>], vector<16xf32>, vector<16xi1>
        %mul3A_182 = arith.constant 16 : i32
        %mul3A_183 = arith.muli %scan3A_49, %mul3A_182 : i32
        %add3A_184 = arith.constant 8 : i32
        %add3A_185 = arith.addi %mul3A_183, %add3A_184 : i32
        %mul3A_186 = arith.constant 16 : i32
        %mul3A_187 = arith.muli %add3A_185, %mul3A_186 : i32
        %get3A_188 = arith.index_cast %mul3A_187 : i32 to index
        %get3A_189 = tpu.vector_load %arg6[%get3A_188] {strides = array<i32>} : memref<36864xi32, #tpu.memory_space<vmem>>, vector<16xi32>,
        %get3A_190 = arith.index_cast %mul3A_187 : i32 to index
        %get3A_191 = tpu.vector_load %arg5[%get3A_190] {strides = array<i32>} : memref<36864xf32, #tpu.memory_space<vmem>>, vector<16xf32>,
        %sub3A_192 = arith.constant 73728 : i32
        %sub3A_193 = vector.broadcast %sub3A_192 : i32 to vector<16xi32>
        %sub3A_194 = arith.subi %get3A_189, %sub3A_193 : vector<16xi32>
        %bitcast3A_195 = vector.bitcast %sub3A_194 : vector<16xi32> to vector<16xi32>
        %lt3A_196 = arith.constant 36864 : i32
        %lt3A_197 = vector.broadcast %lt3A_196 : i32 to vector<16xi32>
        %lt3A_198 = arith.cmpi ult, %bitcast3A_195, %lt3A_197 : vector<16xi32>
        tpu.vector_store_idx %arg7[%sub3A_194], %get3A_191 masked %lt3A_198 : memref<36864xf32, #tpu.memory_space<vmem>>[vector<16xi32>], vector<16xf32>, vector<16xi1>
        %mul3A_199 = arith.constant 16 : i32
        %mul3A_200 = arith.muli %scan3A_49, %mul3A_199 : i32
        %add3A_201 = arith.constant 9 : i32
        %add3A_202 = arith.addi %mul3A_200, %add3A_201 : i32
        %mul3A_203 = arith.constant 16 : i32
        %mul3A_204 = arith.muli %add3A_202, %mul3A_203 : i32
        %get3A_205 = arith.index_cast %mul3A_204 : i32 to index
        %get3A_206 = tpu.vector_load %arg6[%get3A_205] {strides = array<i32>} : memref<36864xi32, #tpu.memory_space<vmem>>, vector<16xi32>,
        %get3A_207 = arith.index_cast %mul3A_204 : i32 to index
        %get3A_208 = tpu.vector_load %arg5[%get3A_207] {strides = array<i32>} : memref<36864xf32, #tpu.memory_space<vmem>>, vector<16xf32>,
        %sub3A_209 = arith.constant 73728 : i32
        %sub3A_210 = vector.broadcast %sub3A_209 : i32 to vector<16xi32>
        %sub3A_211 = arith.subi %get3A_206, %sub3A_210 : vector<16xi32>
        %bitcast3A_212 = vector.bitcast %sub3A_211 : vector<16xi32> to vector<16xi32>
        %lt3A_213 = arith.constant 36864 : i32
        %lt3A_214 = vector.broadcast %lt3A_213 : i32 to vector<16xi32>
        %lt3A_215 = arith.cmpi ult, %bitcast3A_212, %lt3A_214 : vector<16xi32>
        tpu.vector_store_idx %arg7[%sub3A_211], %get3A_208 masked %lt3A_215 : memref<36864xf32, #tpu.memory_space<vmem>>[vector<16xi32>], vector<16xf32>, vector<16xi1>
        %mul3A_216 = arith.constant 16 : i32
        %mul3A_217 = arith.muli %scan3A_49, %mul3A_216 : i32
        %add3A_218 = arith.constant 10 : i32
        %add3A_219 = arith.addi %mul3A_217, %add3A_218 : i32
        %mul3A_220 = arith.constant 16 : i32
        %mul3A_221 = arith.muli %add3A_219, %mul3A_220 : i32
        %get3A_222 = arith.index_cast %mul3A_221 : i32 to index
        %get3A_223 = tpu.vector_load %arg6[%get3A_222] {strides = array<i32>} : memref<36864xi32, #tpu.memory_space<vmem>>, vector<16xi32>,
        %get3A_224 = arith.index_cast %mul3A_221 : i32 to index
        %get3A_225 = tpu.vector_load %arg5[%get3A_224] {strides = array<i32>} : memref<36864xf32, #tpu.memory_space<vmem>>, vector<16xf32>,
        %sub3A_226 = arith.constant 73728 : i32
        %sub3A_227 = vector.broadcast %sub3A_226 : i32 to vector<16xi32>
        %sub3A_228 = arith.subi %get3A_223, %sub3A_227 : vector<16xi32>
        %bitcast3A_229 = vector.bitcast %sub3A_228 : vector<16xi32> to vector<16xi32>
        %lt3A_230 = arith.constant 36864 : i32
        %lt3A_231 = vector.broadcast %lt3A_230 : i32 to vector<16xi32>
        %lt3A_232 = arith.cmpi ult, %bitcast3A_229, %lt3A_231 : vector<16xi32>
        tpu.vector_store_idx %arg7[%sub3A_228], %get3A_225 masked %lt3A_232 : memref<36864xf32, #tpu.memory_space<vmem>>[vector<16xi32>], vector<16xf32>, vector<16xi1>
        %mul3A_233 = arith.constant 16 : i32
        %mul3A_234 = arith.muli %scan3A_49, %mul3A_233 : i32
        %add3A_235 = arith.constant 11 : i32
        %add3A_236 = arith.addi %mul3A_234, %add3A_235 : i32
        %mul3A_237 = arith.constant 16 : i32
        %mul3A_238 = arith.muli %add3A_236, %mul3A_237 : i32
        %get3A_239 = arith.index_cast %mul3A_238 : i32 to index
        %get3A_240 = tpu.vector_load %arg6[%get3A_239] {strides = array<i32>} : memref<36864xi32, #tpu.memory_space<vmem>>, vector<16xi32>,
        %get3A_241 = arith.index_cast %mul3A_238 : i32 to index
        %get3A_242 = tpu.vector_load %arg5[%get3A_241] {strides = array<i32>} : memref<36864xf32, #tpu.memory_space<vmem>>, vector<16xf32>,
        %sub3A_243 = arith.constant 73728 : i32
        %sub3A_244 = vector.broadcast %sub3A_243 : i32 to vector<16xi32>
        %sub3A_245 = arith.subi %get3A_240, %sub3A_244 : vector<16xi32>
        %bitcast3A_246 = vector.bitcast %sub3A_245 : vector<16xi32> to vector<16xi32>
        %lt3A_247 = arith.constant 36864 : i32
        %lt3A_248 = vector.broadcast %lt3A_247 : i32 to vector<16xi32>
        %lt3A_249 = arith.cmpi ult, %bitcast3A_246, %lt3A_248 : vector<16xi32>
        tpu.vector_store_idx %arg7[%sub3A_245], %get3A_242 masked %lt3A_249 : memref<36864xf32, #tpu.memory_space<vmem>>[vector<16xi32>], vector<16xf32>, vector<16xi1>
        %mul3A_250 = arith.constant 16 : i32
        %mul3A_251 = arith.muli %scan3A_49, %mul3A_250 : i32
        %add3A_252 = arith.constant 12 : i32
        %add3A_253 = arith.addi %mul3A_251, %add3A_252 : i32
        %mul3A_254 = arith.constant 16 : i32
        %mul3A_255 = arith.muli %add3A_253, %mul3A_254 : i32
        %get3A_256 = arith.index_cast %mul3A_255 : i32 to index
        %get3A_257 = tpu.vector_load %arg6[%get3A_256] {strides = array<i32>} : memref<36864xi32, #tpu.memory_space<vmem>>, vector<16xi32>,
        %get3A_258 = arith.index_cast %mul3A_255 : i32 to index
        %get3A_259 = tpu.vector_load %arg5[%get3A_258] {strides = array<i32>} : memref<36864xf32, #tpu.memory_space<vmem>>, vector<16xf32>,
        %sub3A_260 = arith.constant 73728 : i32
        %sub3A_261 = vector.broadcast %sub3A_260 : i32 to vector<16xi32>
        %sub3A_262 = arith.subi %get3A_257, %sub3A_261 : vector<16xi32>
        %bitcast3A_263 = vector.bitcast %sub3A_262 : vector<16xi32> to vector<16xi32>
        %lt3A_264 = arith.constant 36864 : i32
        %lt3A_265 = vector.broadcast %lt3A_264 : i32 to vector<16xi32>
        %lt3A_266 = arith.cmpi ult, %bitcast3A_263, %lt3A_265 : vector<16xi32>
        tpu.vector_store_idx %arg7[%sub3A_262], %get3A_259 masked %lt3A_266 : memref<36864xf32, #tpu.memory_space<vmem>>[vector<16xi32>], vector<16xf32>, vector<16xi1>
        %mul3A_267 = arith.constant 16 : i32
        %mul3A_268 = arith.muli %scan3A_49, %mul3A_267 : i32
        %add3A_269 = arith.constant 13 : i32
        %add3A_270 = arith.addi %mul3A_268, %add3A_269 : i32
        %mul3A_271 = arith.constant 16 : i32
        %mul3A_272 = arith.muli %add3A_270, %mul3A_271 : i32
        %get3A_273 = arith.index_cast %mul3A_272 : i32 to index
        %get3A_274 = tpu.vector_load %arg6[%get3A_273] {strides = array<i32>} : memref<36864xi32, #tpu.memory_space<vmem>>, vector<16xi32>,
        %get3A_275 = arith.index_cast %mul3A_272 : i32 to index
        %get3A_276 = tpu.vector_load %arg5[%get3A_275] {strides = array<i32>} : memref<36864xf32, #tpu.memory_space<vmem>>, vector<16xf32>,
        %sub3A_277 = arith.constant 73728 : i32
        %sub3A_278 = vector.broadcast %sub3A_277 : i32 to vector<16xi32>
        %sub3A_279 = arith.subi %get3A_274, %sub3A_278 : vector<16xi32>
        %bitcast3A_280 = vector.bitcast %sub3A_279 : vector<16xi32> to vector<16xi32>
        %lt3A_281 = arith.constant 36864 : i32
        %lt3A_282 = vector.broadcast %lt3A_281 : i32 to vector<16xi32>
        %lt3A_283 = arith.cmpi ult, %bitcast3A_280, %lt3A_282 : vector<16xi32>
        tpu.vector_store_idx %arg7[%sub3A_279], %get3A_276 masked %lt3A_283 : memref<36864xf32, #tpu.memory_space<vmem>>[vector<16xi32>], vector<16xf32>, vector<16xi1>
        %mul3A_284 = arith.constant 16 : i32
        %mul3A_285 = arith.muli %scan3A_49, %mul3A_284 : i32
        %add3A_286 = arith.constant 14 : i32
        %add3A_287 = arith.addi %mul3A_285, %add3A_286 : i32
        %mul3A_288 = arith.constant 16 : i32
        %mul3A_289 = arith.muli %add3A_287, %mul3A_288 : i32
        %get3A_290 = arith.index_cast %mul3A_289 : i32 to index
        %get3A_291 = tpu.vector_load %arg6[%get3A_290] {strides = array<i32>} : memref<36864xi32, #tpu.memory_space<vmem>>, vector<16xi32>,
        %get3A_292 = arith.index_cast %mul3A_289 : i32 to index
        %get3A_293 = tpu.vector_load %arg5[%get3A_292] {strides = array<i32>} : memref<36864xf32, #tpu.memory_space<vmem>>, vector<16xf32>,
        %sub3A_294 = arith.constant 73728 : i32
        %sub3A_295 = vector.broadcast %sub3A_294 : i32 to vector<16xi32>
        %sub3A_296 = arith.subi %get3A_291, %sub3A_295 : vector<16xi32>
        %bitcast3A_297 = vector.bitcast %sub3A_296 : vector<16xi32> to vector<16xi32>
        %lt3A_298 = arith.constant 36864 : i32
        %lt3A_299 = vector.broadcast %lt3A_298 : i32 to vector<16xi32>
        %lt3A_300 = arith.cmpi ult, %bitcast3A_297, %lt3A_299 : vector<16xi32>
        tpu.vector_store_idx %arg7[%sub3A_296], %get3A_293 masked %lt3A_300 : memref<36864xf32, #tpu.memory_space<vmem>>[vector<16xi32>], vector<16xf32>, vector<16xi1>
        %mul3A_301 = arith.constant 16 : i32
        %mul3A_302 = arith.muli %scan3A_49, %mul3A_301 : i32
        %add3A_303 = arith.constant 15 : i32
        %add3A_304 = arith.addi %mul3A_302, %add3A_303 : i32
        %mul3A_305 = arith.constant 16 : i32
        %mul3A_306 = arith.muli %add3A_304, %mul3A_305 : i32
        %get3A_307 = arith.index_cast %mul3A_306 : i32 to index
        %get3A_308 = tpu.vector_load %arg6[%get3A_307] {strides = array<i32>} : memref<36864xi32, #tpu.memory_space<vmem>>, vector<16xi32>,
        %get3A_309 = arith.index_cast %mul3A_306 : i32 to index
        %get3A_310 = tpu.vector_load %arg5[%get3A_309] {strides = array<i32>} : memref<36864xf32, #tpu.memory_space<vmem>>, vector<16xf32>,
        %sub3A_311 = arith.constant 73728 : i32
        %sub3A_312 = vector.broadcast %sub3A_311 : i32 to vector<16xi32>
        %sub3A_313 = arith.subi %get3A_308, %sub3A_312 : vector<16xi32>
        %bitcast3A_314 = vector.bitcast %sub3A_313 : vector<16xi32> to vector<16xi32>
        %lt3A_315 = arith.constant 36864 : i32
        %lt3A_316 = vector.broadcast %lt3A_315 : i32 to vector<16xi32>
        %lt3A_317 = arith.cmpi ult, %bitcast3A_314, %lt3A_316 : vector<16xi32>
        tpu.vector_store_idx %arg7[%sub3A_313], %get3A_310 masked %lt3A_317 : memref<36864xf32, #tpu.memory_space<vmem>>[vector<16xi32>], vector<16xf32>, vector<16xi1>
      }
      %scan3A_37 = arith.constant 144 : i32
      %run_scoped3A_38 = arith.constant 2 : i32
      "tpu.region"() ({
        %run_scoped3A_49 = tpu.sem_alloc : memref<!tpu.dma_semaphore, #tpu.memory_space<semaphore_mem>>
        %dma_start3A = arith.constant 0 : i32
        %dma_start3A_50 = tpu.memref_slice %arg4[%add3A_10, %run_scoped3A_38, %dma_start3A] : memref<384x4x36864xf32, #tpu.memory_space<hbm>> -> memref<1x1x36864xf32, #tpu.memory_space<hbm>>
        %dma_start3A_51 = tpu.memref_squeeze %dma_start3A_50 : memref<1x1x36864xf32, #tpu.memory_space<hbm>> -> memref<36864xf32, #tpu.memory_space<hbm>>
        %dma_start3A_52 = arith.constant 0 : i32
        %dma_start3A_53 = tpu.memref_slice %arg4[%add3A_10, %run_scoped3A_38, %dma_start3A_52] : memref<384x4x36864xf32, #tpu.memory_space<hbm>> -> memref<1x1x36864xf32, #tpu.memory_space<hbm>>
        %dma_start3A_54 = tpu.memref_squeeze %dma_start3A_53 : memref<1x1x36864xf32, #tpu.memory_space<hbm>> -> memref<36864xf32, #tpu.memory_space<hbm>>
        tpu.enqueue_dma source(%arg7 : memref<36864xf32, #tpu.memory_space<vmem>>) target(%dma_start3A_54 : memref<36864xf32, #tpu.memory_space<hbm>>) target_semaphore(%run_scoped3A_49 : memref<!tpu.dma_semaphore, #tpu.memory_space<semaphore_mem>>)
        %dma_wait3A = arith.constant 0 : i32
        %dma_wait3A_55 = tpu.memref_slice %arg4[%add3A_10, %run_scoped3A_38, %dma_wait3A] : memref<384x4x36864xf32, #tpu.memory_space<hbm>> -> memref<1x1x36864xf32, #tpu.memory_space<hbm>>
        %dma_wait3A_56 = tpu.memref_squeeze %dma_wait3A_55 : memref<1x1x36864xf32, #tpu.memory_space<hbm>> -> memref<36864xf32, #tpu.memory_space<hbm>>
        %dma_wait3A_57 = arith.constant 0 : i32
        %dma_wait3A_58 = tpu.memref_slice %arg4[%add3A_10, %run_scoped3A_38, %dma_wait3A_57] : memref<384x4x36864xf32, #tpu.memory_space<hbm>> -> memref<1x1x36864xf32, #tpu.memory_space<hbm>>
        %dma_wait3A_59 = tpu.memref_squeeze %dma_wait3A_58 : memref<1x1x36864xf32, #tpu.memory_space<hbm>> -> memref<36864xf32, #tpu.memory_space<hbm>>
        tpu.wait_dma2 semaphore(%run_scoped3A_49 : memref<!tpu.dma_semaphore, #tpu.memory_space<semaphore_mem>>) src(%arg7 : memref<36864xf32, #tpu.memory_space<vmem>>) dst(%dma_wait3A_59 : memref<36864xf32, #tpu.memory_space<hbm>>)
        tpu.yield
      }) : () -> ()
      %parallel_loop3A_39 = arith.constant 0 : i32
      %parallel_loop3A_40 = arith.constant 2304 : i32
      %parallel_loop3A_41 = arith.constant 1 : i32
      scf.for %parallel_loop3A_49 = %parallel_loop3A_39 to %parallel_loop3A_40 step %parallel_loop3A_41  : i32 {
        %parallel_loop3A_50 = arith.constant 16 : i32
        %parallel_loop3A_51 = arith.muli %parallel_loop3A_49, %parallel_loop3A_50 : i32
        %parallel_loop3A_52 = arith.index_cast %parallel_loop3A_51 : i32 to index
        %parallel_loop3A_53 = tpu.vector_load %arg7[%parallel_loop3A_52] {strides = array<i32>} : memref<36864xf32, #tpu.memory_space<vmem>>, vector<16xf32>,
        tpu.vector_store %arg7[%parallel_loop3A_52], %broadcast_in_dim3A_1 {strides = array<i32>} : memref<36864xf32, #tpu.memory_space<vmem>>, vector<16xf32>,
      } {sc.loop_unroll_factor = 16 : i64, sc.parallel_access}
      %scan3A_42 = arith.constant 0 : i32
      %scan3A_43 = arith.constant 0 : i32
      %scan3A_44 = arith.constant 144 : i32
      %scan3A_45 = arith.addi %scan3A_43, %scan3A_44 : i32
      %scan3A_46 = arith.constant 1 : i32
      scf.for %scan3A_49 = %scan3A_43 to %scan3A_45 step %scan3A_46  : i32 {
        %mul3A_50 = arith.constant 16 : i32
        %mul3A_51 = arith.muli %scan3A_49, %mul3A_50 : i32
        %add3A_52 = arith.constant 0 : i32
        %add3A_53 = arith.addi %mul3A_51, %add3A_52 : i32
        %mul3A_54 = arith.constant 16 : i32
        %mul3A_55 = arith.muli %add3A_53, %mul3A_54 : i32
        %get3A = arith.index_cast %mul3A_55 : i32 to index
        %get3A_56 = tpu.vector_load %arg6[%get3A] {strides = array<i32>} : memref<36864xi32, #tpu.memory_space<vmem>>, vector<16xi32>,
        %get3A_57 = arith.index_cast %mul3A_55 : i32 to index
        %get3A_58 = tpu.vector_load %arg5[%get3A_57] {strides = array<i32>} : memref<36864xf32, #tpu.memory_space<vmem>>, vector<16xf32>,
        %sub3A = arith.constant 110592 : i32
        %sub3A_59 = vector.broadcast %sub3A : i32 to vector<16xi32>
        %sub3A_60 = arith.subi %get3A_56, %sub3A_59 : vector<16xi32>
        %bitcast3A = vector.bitcast %sub3A_60 : vector<16xi32> to vector<16xi32>
        %lt3A = arith.constant 36864 : i32
        %lt3A_61 = vector.broadcast %lt3A : i32 to vector<16xi32>
        %lt3A_62 = arith.cmpi ult, %bitcast3A, %lt3A_61 : vector<16xi32>
        tpu.vector_store_idx %arg7[%sub3A_60], %get3A_58 masked %lt3A_62 : memref<36864xf32, #tpu.memory_space<vmem>>[vector<16xi32>], vector<16xf32>, vector<16xi1>
        %mul3A_63 = arith.constant 16 : i32
        %mul3A_64 = arith.muli %scan3A_49, %mul3A_63 : i32
        %add3A_65 = arith.constant 1 : i32
        %add3A_66 = arith.addi %mul3A_64, %add3A_65 : i32
        %mul3A_67 = arith.constant 16 : i32
        %mul3A_68 = arith.muli %add3A_66, %mul3A_67 : i32
        %get3A_69 = arith.index_cast %mul3A_68 : i32 to index
        %get3A_70 = tpu.vector_load %arg6[%get3A_69] {strides = array<i32>} : memref<36864xi32, #tpu.memory_space<vmem>>, vector<16xi32>,
        %get3A_71 = arith.index_cast %mul3A_68 : i32 to index
        %get3A_72 = tpu.vector_load %arg5[%get3A_71] {strides = array<i32>} : memref<36864xf32, #tpu.memory_space<vmem>>, vector<16xf32>,
        %sub3A_73 = arith.constant 110592 : i32
        %sub3A_74 = vector.broadcast %sub3A_73 : i32 to vector<16xi32>
        %sub3A_75 = arith.subi %get3A_70, %sub3A_74 : vector<16xi32>
        %bitcast3A_76 = vector.bitcast %sub3A_75 : vector<16xi32> to vector<16xi32>
        %lt3A_77 = arith.constant 36864 : i32
        %lt3A_78 = vector.broadcast %lt3A_77 : i32 to vector<16xi32>
        %lt3A_79 = arith.cmpi ult, %bitcast3A_76, %lt3A_78 : vector<16xi32>
        tpu.vector_store_idx %arg7[%sub3A_75], %get3A_72 masked %lt3A_79 : memref<36864xf32, #tpu.memory_space<vmem>>[vector<16xi32>], vector<16xf32>, vector<16xi1>
        %mul3A_80 = arith.constant 16 : i32
        %mul3A_81 = arith.muli %scan3A_49, %mul3A_80 : i32
        %add3A_82 = arith.constant 2 : i32
        %add3A_83 = arith.addi %mul3A_81, %add3A_82 : i32
        %mul3A_84 = arith.constant 16 : i32
        %mul3A_85 = arith.muli %add3A_83, %mul3A_84 : i32
        %get3A_86 = arith.index_cast %mul3A_85 : i32 to index
        %get3A_87 = tpu.vector_load %arg6[%get3A_86] {strides = array<i32>} : memref<36864xi32, #tpu.memory_space<vmem>>, vector<16xi32>,
        %get3A_88 = arith.index_cast %mul3A_85 : i32 to index
        %get3A_89 = tpu.vector_load %arg5[%get3A_88] {strides = array<i32>} : memref<36864xf32, #tpu.memory_space<vmem>>, vector<16xf32>,
        %sub3A_90 = arith.constant 110592 : i32
        %sub3A_91 = vector.broadcast %sub3A_90 : i32 to vector<16xi32>
        %sub3A_92 = arith.subi %get3A_87, %sub3A_91 : vector<16xi32>
        %bitcast3A_93 = vector.bitcast %sub3A_92 : vector<16xi32> to vector<16xi32>
        %lt3A_94 = arith.constant 36864 : i32
        %lt3A_95 = vector.broadcast %lt3A_94 : i32 to vector<16xi32>
        %lt3A_96 = arith.cmpi ult, %bitcast3A_93, %lt3A_95 : vector<16xi32>
        tpu.vector_store_idx %arg7[%sub3A_92], %get3A_89 masked %lt3A_96 : memref<36864xf32, #tpu.memory_space<vmem>>[vector<16xi32>], vector<16xf32>, vector<16xi1>
        %mul3A_97 = arith.constant 16 : i32
        %mul3A_98 = arith.muli %scan3A_49, %mul3A_97 : i32
        %add3A_99 = arith.constant 3 : i32
        %add3A_100 = arith.addi %mul3A_98, %add3A_99 : i32
        %mul3A_101 = arith.constant 16 : i32
        %mul3A_102 = arith.muli %add3A_100, %mul3A_101 : i32
        %get3A_103 = arith.index_cast %mul3A_102 : i32 to index
        %get3A_104 = tpu.vector_load %arg6[%get3A_103] {strides = array<i32>} : memref<36864xi32, #tpu.memory_space<vmem>>, vector<16xi32>,
        %get3A_105 = arith.index_cast %mul3A_102 : i32 to index
        %get3A_106 = tpu.vector_load %arg5[%get3A_105] {strides = array<i32>} : memref<36864xf32, #tpu.memory_space<vmem>>, vector<16xf32>,
        %sub3A_107 = arith.constant 110592 : i32
        %sub3A_108 = vector.broadcast %sub3A_107 : i32 to vector<16xi32>
        %sub3A_109 = arith.subi %get3A_104, %sub3A_108 : vector<16xi32>
        %bitcast3A_110 = vector.bitcast %sub3A_109 : vector<16xi32> to vector<16xi32>
        %lt3A_111 = arith.constant 36864 : i32
        %lt3A_112 = vector.broadcast %lt3A_111 : i32 to vector<16xi32>
        %lt3A_113 = arith.cmpi ult, %bitcast3A_110, %lt3A_112 : vector<16xi32>
        tpu.vector_store_idx %arg7[%sub3A_109], %get3A_106 masked %lt3A_113 : memref<36864xf32, #tpu.memory_space<vmem>>[vector<16xi32>], vector<16xf32>, vector<16xi1>
        %mul3A_114 = arith.constant 16 : i32
        %mul3A_115 = arith.muli %scan3A_49, %mul3A_114 : i32
        %add3A_116 = arith.constant 4 : i32
        %add3A_117 = arith.addi %mul3A_115, %add3A_116 : i32
        %mul3A_118 = arith.constant 16 : i32
        %mul3A_119 = arith.muli %add3A_117, %mul3A_118 : i32
        %get3A_120 = arith.index_cast %mul3A_119 : i32 to index
        %get3A_121 = tpu.vector_load %arg6[%get3A_120] {strides = array<i32>} : memref<36864xi32, #tpu.memory_space<vmem>>, vector<16xi32>,
        %get3A_122 = arith.index_cast %mul3A_119 : i32 to index
        %get3A_123 = tpu.vector_load %arg5[%get3A_122] {strides = array<i32>} : memref<36864xf32, #tpu.memory_space<vmem>>, vector<16xf32>,
        %sub3A_124 = arith.constant 110592 : i32
        %sub3A_125 = vector.broadcast %sub3A_124 : i32 to vector<16xi32>
        %sub3A_126 = arith.subi %get3A_121, %sub3A_125 : vector<16xi32>
        %bitcast3A_127 = vector.bitcast %sub3A_126 : vector<16xi32> to vector<16xi32>
        %lt3A_128 = arith.constant 36864 : i32
        %lt3A_129 = vector.broadcast %lt3A_128 : i32 to vector<16xi32>
        %lt3A_130 = arith.cmpi ult, %bitcast3A_127, %lt3A_129 : vector<16xi32>
        tpu.vector_store_idx %arg7[%sub3A_126], %get3A_123 masked %lt3A_130 : memref<36864xf32, #tpu.memory_space<vmem>>[vector<16xi32>], vector<16xf32>, vector<16xi1>
        %mul3A_131 = arith.constant 16 : i32
        %mul3A_132 = arith.muli %scan3A_49, %mul3A_131 : i32
        %add3A_133 = arith.constant 5 : i32
        %add3A_134 = arith.addi %mul3A_132, %add3A_133 : i32
        %mul3A_135 = arith.constant 16 : i32
        %mul3A_136 = arith.muli %add3A_134, %mul3A_135 : i32
        %get3A_137 = arith.index_cast %mul3A_136 : i32 to index
        %get3A_138 = tpu.vector_load %arg6[%get3A_137] {strides = array<i32>} : memref<36864xi32, #tpu.memory_space<vmem>>, vector<16xi32>,
        %get3A_139 = arith.index_cast %mul3A_136 : i32 to index
        %get3A_140 = tpu.vector_load %arg5[%get3A_139] {strides = array<i32>} : memref<36864xf32, #tpu.memory_space<vmem>>, vector<16xf32>,
        %sub3A_141 = arith.constant 110592 : i32
        %sub3A_142 = vector.broadcast %sub3A_141 : i32 to vector<16xi32>
        %sub3A_143 = arith.subi %get3A_138, %sub3A_142 : vector<16xi32>
        %bitcast3A_144 = vector.bitcast %sub3A_143 : vector<16xi32> to vector<16xi32>
        %lt3A_145 = arith.constant 36864 : i32
        %lt3A_146 = vector.broadcast %lt3A_145 : i32 to vector<16xi32>
        %lt3A_147 = arith.cmpi ult, %bitcast3A_144, %lt3A_146 : vector<16xi32>
        tpu.vector_store_idx %arg7[%sub3A_143], %get3A_140 masked %lt3A_147 : memref<36864xf32, #tpu.memory_space<vmem>>[vector<16xi32>], vector<16xf32>, vector<16xi1>
        %mul3A_148 = arith.constant 16 : i32
        %mul3A_149 = arith.muli %scan3A_49, %mul3A_148 : i32
        %add3A_150 = arith.constant 6 : i32
        %add3A_151 = arith.addi %mul3A_149, %add3A_150 : i32
        %mul3A_152 = arith.constant 16 : i32
        %mul3A_153 = arith.muli %add3A_151, %mul3A_152 : i32
        %get3A_154 = arith.index_cast %mul3A_153 : i32 to index
        %get3A_155 = tpu.vector_load %arg6[%get3A_154] {strides = array<i32>} : memref<36864xi32, #tpu.memory_space<vmem>>, vector<16xi32>,
        %get3A_156 = arith.index_cast %mul3A_153 : i32 to index
        %get3A_157 = tpu.vector_load %arg5[%get3A_156] {strides = array<i32>} : memref<36864xf32, #tpu.memory_space<vmem>>, vector<16xf32>,
        %sub3A_158 = arith.constant 110592 : i32
        %sub3A_159 = vector.broadcast %sub3A_158 : i32 to vector<16xi32>
        %sub3A_160 = arith.subi %get3A_155, %sub3A_159 : vector<16xi32>
        %bitcast3A_161 = vector.bitcast %sub3A_160 : vector<16xi32> to vector<16xi32>
        %lt3A_162 = arith.constant 36864 : i32
        %lt3A_163 = vector.broadcast %lt3A_162 : i32 to vector<16xi32>
        %lt3A_164 = arith.cmpi ult, %bitcast3A_161, %lt3A_163 : vector<16xi32>
        tpu.vector_store_idx %arg7[%sub3A_160], %get3A_157 masked %lt3A_164 : memref<36864xf32, #tpu.memory_space<vmem>>[vector<16xi32>], vector<16xf32>, vector<16xi1>
        %mul3A_165 = arith.constant 16 : i32
        %mul3A_166 = arith.muli %scan3A_49, %mul3A_165 : i32
        %add3A_167 = arith.constant 7 : i32
        %add3A_168 = arith.addi %mul3A_166, %add3A_167 : i32
        %mul3A_169 = arith.constant 16 : i32
        %mul3A_170 = arith.muli %add3A_168, %mul3A_169 : i32
        %get3A_171 = arith.index_cast %mul3A_170 : i32 to index
        %get3A_172 = tpu.vector_load %arg6[%get3A_171] {strides = array<i32>} : memref<36864xi32, #tpu.memory_space<vmem>>, vector<16xi32>,
        %get3A_173 = arith.index_cast %mul3A_170 : i32 to index
        %get3A_174 = tpu.vector_load %arg5[%get3A_173] {strides = array<i32>} : memref<36864xf32, #tpu.memory_space<vmem>>, vector<16xf32>,
        %sub3A_175 = arith.constant 110592 : i32
        %sub3A_176 = vector.broadcast %sub3A_175 : i32 to vector<16xi32>
        %sub3A_177 = arith.subi %get3A_172, %sub3A_176 : vector<16xi32>
        %bitcast3A_178 = vector.bitcast %sub3A_177 : vector<16xi32> to vector<16xi32>
        %lt3A_179 = arith.constant 36864 : i32
        %lt3A_180 = vector.broadcast %lt3A_179 : i32 to vector<16xi32>
        %lt3A_181 = arith.cmpi ult, %bitcast3A_178, %lt3A_180 : vector<16xi32>
        tpu.vector_store_idx %arg7[%sub3A_177], %get3A_174 masked %lt3A_181 : memref<36864xf32, #tpu.memory_space<vmem>>[vector<16xi32>], vector<16xf32>, vector<16xi1>
        %mul3A_182 = arith.constant 16 : i32
        %mul3A_183 = arith.muli %scan3A_49, %mul3A_182 : i32
        %add3A_184 = arith.constant 8 : i32
        %add3A_185 = arith.addi %mul3A_183, %add3A_184 : i32
        %mul3A_186 = arith.constant 16 : i32
        %mul3A_187 = arith.muli %add3A_185, %mul3A_186 : i32
        %get3A_188 = arith.index_cast %mul3A_187 : i32 to index
        %get3A_189 = tpu.vector_load %arg6[%get3A_188] {strides = array<i32>} : memref<36864xi32, #tpu.memory_space<vmem>>, vector<16xi32>,
        %get3A_190 = arith.index_cast %mul3A_187 : i32 to index
        %get3A_191 = tpu.vector_load %arg5[%get3A_190] {strides = array<i32>} : memref<36864xf32, #tpu.memory_space<vmem>>, vector<16xf32>,
        %sub3A_192 = arith.constant 110592 : i32
        %sub3A_193 = vector.broadcast %sub3A_192 : i32 to vector<16xi32>
        %sub3A_194 = arith.subi %get3A_189, %sub3A_193 : vector<16xi32>
        %bitcast3A_195 = vector.bitcast %sub3A_194 : vector<16xi32> to vector<16xi32>
        %lt3A_196 = arith.constant 36864 : i32
        %lt3A_197 = vector.broadcast %lt3A_196 : i32 to vector<16xi32>
        %lt3A_198 = arith.cmpi ult, %bitcast3A_195, %lt3A_197 : vector<16xi32>
        tpu.vector_store_idx %arg7[%sub3A_194], %get3A_191 masked %lt3A_198 : memref<36864xf32, #tpu.memory_space<vmem>>[vector<16xi32>], vector<16xf32>, vector<16xi1>
        %mul3A_199 = arith.constant 16 : i32
        %mul3A_200 = arith.muli %scan3A_49, %mul3A_199 : i32
        %add3A_201 = arith.constant 9 : i32
        %add3A_202 = arith.addi %mul3A_200, %add3A_201 : i32
        %mul3A_203 = arith.constant 16 : i32
        %mul3A_204 = arith.muli %add3A_202, %mul3A_203 : i32
        %get3A_205 = arith.index_cast %mul3A_204 : i32 to index
        %get3A_206 = tpu.vector_load %arg6[%get3A_205] {strides = array<i32>} : memref<36864xi32, #tpu.memory_space<vmem>>, vector<16xi32>,
        %get3A_207 = arith.index_cast %mul3A_204 : i32 to index
        %get3A_208 = tpu.vector_load %arg5[%get3A_207] {strides = array<i32>} : memref<36864xf32, #tpu.memory_space<vmem>>, vector<16xf32>,
        %sub3A_209 = arith.constant 110592 : i32
        %sub3A_210 = vector.broadcast %sub3A_209 : i32 to vector<16xi32>
        %sub3A_211 = arith.subi %get3A_206, %sub3A_210 : vector<16xi32>
        %bitcast3A_212 = vector.bitcast %sub3A_211 : vector<16xi32> to vector<16xi32>
        %lt3A_213 = arith.constant 36864 : i32
        %lt3A_214 = vector.broadcast %lt3A_213 : i32 to vector<16xi32>
        %lt3A_215 = arith.cmpi ult, %bitcast3A_212, %lt3A_214 : vector<16xi32>
        tpu.vector_store_idx %arg7[%sub3A_211], %get3A_208 masked %lt3A_215 : memref<36864xf32, #tpu.memory_space<vmem>>[vector<16xi32>], vector<16xf32>, vector<16xi1>
        %mul3A_216 = arith.constant 16 : i32
        %mul3A_217 = arith.muli %scan3A_49, %mul3A_216 : i32
        %add3A_218 = arith.constant 10 : i32
        %add3A_219 = arith.addi %mul3A_217, %add3A_218 : i32
        %mul3A_220 = arith.constant 16 : i32
        %mul3A_221 = arith.muli %add3A_219, %mul3A_220 : i32
        %get3A_222 = arith.index_cast %mul3A_221 : i32 to index
        %get3A_223 = tpu.vector_load %arg6[%get3A_222] {strides = array<i32>} : memref<36864xi32, #tpu.memory_space<vmem>>, vector<16xi32>,
        %get3A_224 = arith.index_cast %mul3A_221 : i32 to index
        %get3A_225 = tpu.vector_load %arg5[%get3A_224] {strides = array<i32>} : memref<36864xf32, #tpu.memory_space<vmem>>, vector<16xf32>,
        %sub3A_226 = arith.constant 110592 : i32
        %sub3A_227 = vector.broadcast %sub3A_226 : i32 to vector<16xi32>
        %sub3A_228 = arith.subi %get3A_223, %sub3A_227 : vector<16xi32>
        %bitcast3A_229 = vector.bitcast %sub3A_228 : vector<16xi32> to vector<16xi32>
        %lt3A_230 = arith.constant 36864 : i32
        %lt3A_231 = vector.broadcast %lt3A_230 : i32 to vector<16xi32>
        %lt3A_232 = arith.cmpi ult, %bitcast3A_229, %lt3A_231 : vector<16xi32>
        tpu.vector_store_idx %arg7[%sub3A_228], %get3A_225 masked %lt3A_232 : memref<36864xf32, #tpu.memory_space<vmem>>[vector<16xi32>], vector<16xf32>, vector<16xi1>
        %mul3A_233 = arith.constant 16 : i32
        %mul3A_234 = arith.muli %scan3A_49, %mul3A_233 : i32
        %add3A_235 = arith.constant 11 : i32
        %add3A_236 = arith.addi %mul3A_234, %add3A_235 : i32
        %mul3A_237 = arith.constant 16 : i32
        %mul3A_238 = arith.muli %add3A_236, %mul3A_237 : i32
        %get3A_239 = arith.index_cast %mul3A_238 : i32 to index
        %get3A_240 = tpu.vector_load %arg6[%get3A_239] {strides = array<i32>} : memref<36864xi32, #tpu.memory_space<vmem>>, vector<16xi32>,
        %get3A_241 = arith.index_cast %mul3A_238 : i32 to index
        %get3A_242 = tpu.vector_load %arg5[%get3A_241] {strides = array<i32>} : memref<36864xf32, #tpu.memory_space<vmem>>, vector<16xf32>,
        %sub3A_243 = arith.constant 110592 : i32
        %sub3A_244 = vector.broadcast %sub3A_243 : i32 to vector<16xi32>
        %sub3A_245 = arith.subi %get3A_240, %sub3A_244 : vector<16xi32>
        %bitcast3A_246 = vector.bitcast %sub3A_245 : vector<16xi32> to vector<16xi32>
        %lt3A_247 = arith.constant 36864 : i32
        %lt3A_248 = vector.broadcast %lt3A_247 : i32 to vector<16xi32>
        %lt3A_249 = arith.cmpi ult, %bitcast3A_246, %lt3A_248 : vector<16xi32>
        tpu.vector_store_idx %arg7[%sub3A_245], %get3A_242 masked %lt3A_249 : memref<36864xf32, #tpu.memory_space<vmem>>[vector<16xi32>], vector<16xf32>, vector<16xi1>
        %mul3A_250 = arith.constant 16 : i32
        %mul3A_251 = arith.muli %scan3A_49, %mul3A_250 : i32
        %add3A_252 = arith.constant 12 : i32
        %add3A_253 = arith.addi %mul3A_251, %add3A_252 : i32
        %mul3A_254 = arith.constant 16 : i32
        %mul3A_255 = arith.muli %add3A_253, %mul3A_254 : i32
        %get3A_256 = arith.index_cast %mul3A_255 : i32 to index
        %get3A_257 = tpu.vector_load %arg6[%get3A_256] {strides = array<i32>} : memref<36864xi32, #tpu.memory_space<vmem>>, vector<16xi32>,
        %get3A_258 = arith.index_cast %mul3A_255 : i32 to index
        %get3A_259 = tpu.vector_load %arg5[%get3A_258] {strides = array<i32>} : memref<36864xf32, #tpu.memory_space<vmem>>, vector<16xf32>,
        %sub3A_260 = arith.constant 110592 : i32
        %sub3A_261 = vector.broadcast %sub3A_260 : i32 to vector<16xi32>
        %sub3A_262 = arith.subi %get3A_257, %sub3A_261 : vector<16xi32>
        %bitcast3A_263 = vector.bitcast %sub3A_262 : vector<16xi32> to vector<16xi32>
        %lt3A_264 = arith.constant 36864 : i32
        %lt3A_265 = vector.broadcast %lt3A_264 : i32 to vector<16xi32>
        %lt3A_266 = arith.cmpi ult, %bitcast3A_263, %lt3A_265 : vector<16xi32>
        tpu.vector_store_idx %arg7[%sub3A_262], %get3A_259 masked %lt3A_266 : memref<36864xf32, #tpu.memory_space<vmem>>[vector<16xi32>], vector<16xf32>, vector<16xi1>
        %mul3A_267 = arith.constant 16 : i32
        %mul3A_268 = arith.muli %scan3A_49, %mul3A_267 : i32
        %add3A_269 = arith.constant 13 : i32
        %add3A_270 = arith.addi %mul3A_268, %add3A_269 : i32
        %mul3A_271 = arith.constant 16 : i32
        %mul3A_272 = arith.muli %add3A_270, %mul3A_271 : i32
        %get3A_273 = arith.index_cast %mul3A_272 : i32 to index
        %get3A_274 = tpu.vector_load %arg6[%get3A_273] {strides = array<i32>} : memref<36864xi32, #tpu.memory_space<vmem>>, vector<16xi32>,
        %get3A_275 = arith.index_cast %mul3A_272 : i32 to index
        %get3A_276 = tpu.vector_load %arg5[%get3A_275] {strides = array<i32>} : memref<36864xf32, #tpu.memory_space<vmem>>, vector<16xf32>,
        %sub3A_277 = arith.constant 110592 : i32
        %sub3A_278 = vector.broadcast %sub3A_277 : i32 to vector<16xi32>
        %sub3A_279 = arith.subi %get3A_274, %sub3A_278 : vector<16xi32>
        %bitcast3A_280 = vector.bitcast %sub3A_279 : vector<16xi32> to vector<16xi32>
        %lt3A_281 = arith.constant 36864 : i32
        %lt3A_282 = vector.broadcast %lt3A_281 : i32 to vector<16xi32>
        %lt3A_283 = arith.cmpi ult, %bitcast3A_280, %lt3A_282 : vector<16xi32>
        tpu.vector_store_idx %arg7[%sub3A_279], %get3A_276 masked %lt3A_283 : memref<36864xf32, #tpu.memory_space<vmem>>[vector<16xi32>], vector<16xf32>, vector<16xi1>
        %mul3A_284 = arith.constant 16 : i32
        %mul3A_285 = arith.muli %scan3A_49, %mul3A_284 : i32
        %add3A_286 = arith.constant 14 : i32
        %add3A_287 = arith.addi %mul3A_285, %add3A_286 : i32
        %mul3A_288 = arith.constant 16 : i32
        %mul3A_289 = arith.muli %add3A_287, %mul3A_288 : i32
        %get3A_290 = arith.index_cast %mul3A_289 : i32 to index
        %get3A_291 = tpu.vector_load %arg6[%get3A_290] {strides = array<i32>} : memref<36864xi32, #tpu.memory_space<vmem>>, vector<16xi32>,
        %get3A_292 = arith.index_cast %mul3A_289 : i32 to index
        %get3A_293 = tpu.vector_load %arg5[%get3A_292] {strides = array<i32>} : memref<36864xf32, #tpu.memory_space<vmem>>, vector<16xf32>,
        %sub3A_294 = arith.constant 110592 : i32
        %sub3A_295 = vector.broadcast %sub3A_294 : i32 to vector<16xi32>
        %sub3A_296 = arith.subi %get3A_291, %sub3A_295 : vector<16xi32>
        %bitcast3A_297 = vector.bitcast %sub3A_296 : vector<16xi32> to vector<16xi32>
        %lt3A_298 = arith.constant 36864 : i32
        %lt3A_299 = vector.broadcast %lt3A_298 : i32 to vector<16xi32>
        %lt3A_300 = arith.cmpi ult, %bitcast3A_297, %lt3A_299 : vector<16xi32>
        tpu.vector_store_idx %arg7[%sub3A_296], %get3A_293 masked %lt3A_300 : memref<36864xf32, #tpu.memory_space<vmem>>[vector<16xi32>], vector<16xf32>, vector<16xi1>
        %mul3A_301 = arith.constant 16 : i32
        %mul3A_302 = arith.muli %scan3A_49, %mul3A_301 : i32
        %add3A_303 = arith.constant 15 : i32
        %add3A_304 = arith.addi %mul3A_302, %add3A_303 : i32
        %mul3A_305 = arith.constant 16 : i32
        %mul3A_306 = arith.muli %add3A_304, %mul3A_305 : i32
        %get3A_307 = arith.index_cast %mul3A_306 : i32 to index
        %get3A_308 = tpu.vector_load %arg6[%get3A_307] {strides = array<i32>} : memref<36864xi32, #tpu.memory_space<vmem>>, vector<16xi32>,
        %get3A_309 = arith.index_cast %mul3A_306 : i32 to index
        %get3A_310 = tpu.vector_load %arg5[%get3A_309] {strides = array<i32>} : memref<36864xf32, #tpu.memory_space<vmem>>, vector<16xf32>,
        %sub3A_311 = arith.constant 110592 : i32
        %sub3A_312 = vector.broadcast %sub3A_311 : i32 to vector<16xi32>
        %sub3A_313 = arith.subi %get3A_308, %sub3A_312 : vector<16xi32>
        %bitcast3A_314 = vector.bitcast %sub3A_313 : vector<16xi32> to vector<16xi32>
        %lt3A_315 = arith.constant 36864 : i32
        %lt3A_316 = vector.broadcast %lt3A_315 : i32 to vector<16xi32>
        %lt3A_317 = arith.cmpi ult, %bitcast3A_314, %lt3A_316 : vector<16xi32>
        tpu.vector_store_idx %arg7[%sub3A_313], %get3A_310 masked %lt3A_317 : memref<36864xf32, #tpu.memory_space<vmem>>[vector<16xi32>], vector<16xf32>, vector<16xi1>
      }
      %scan3A_47 = arith.constant 144 : i32
      %run_scoped3A_48 = arith.constant 3 : i32
      "tpu.region"() ({
        %run_scoped3A_49 = tpu.sem_alloc : memref<!tpu.dma_semaphore, #tpu.memory_space<semaphore_mem>>
        %dma_start3A = arith.constant 0 : i32
        %dma_start3A_50 = tpu.memref_slice %arg4[%add3A_10, %run_scoped3A_48, %dma_start3A] : memref<384x4x36864xf32, #tpu.memory_space<hbm>> -> memref<1x1x36864xf32, #tpu.memory_space<hbm>>
        %dma_start3A_51 = tpu.memref_squeeze %dma_start3A_50 : memref<1x1x36864xf32, #tpu.memory_space<hbm>> -> memref<36864xf32, #tpu.memory_space<hbm>>
        %dma_start3A_52 = arith.constant 0 : i32
        %dma_start3A_53 = tpu.memref_slice %arg4[%add3A_10, %run_scoped3A_48, %dma_start3A_52] : memref<384x4x36864xf32, #tpu.memory_space<hbm>> -> memref<1x1x36864xf32, #tpu.memory_space<hbm>>
        %dma_start3A_54 = tpu.memref_squeeze %dma_start3A_53 : memref<1x1x36864xf32, #tpu.memory_space<hbm>> -> memref<36864xf32, #tpu.memory_space<hbm>>
        tpu.enqueue_dma source(%arg7 : memref<36864xf32, #tpu.memory_space<vmem>>) target(%dma_start3A_54 : memref<36864xf32, #tpu.memory_space<hbm>>) target_semaphore(%run_scoped3A_49 : memref<!tpu.dma_semaphore, #tpu.memory_space<semaphore_mem>>)
        %dma_wait3A = arith.constant 0 : i32
        %dma_wait3A_55 = tpu.memref_slice %arg4[%add3A_10, %run_scoped3A_48, %dma_wait3A] : memref<384x4x36864xf32, #tpu.memory_space<hbm>> -> memref<1x1x36864xf32, #tpu.memory_space<hbm>>
        %dma_wait3A_56 = tpu.memref_squeeze %dma_wait3A_55 : memref<1x1x36864xf32, #tpu.memory_space<hbm>> -> memref<36864xf32, #tpu.memory_space<hbm>>
        %dma_wait3A_57 = arith.constant 0 : i32
        %dma_wait3A_58 = tpu.memref_slice %arg4[%add3A_10, %run_scoped3A_48, %dma_wait3A_57] : memref<384x4x36864xf32, #tpu.memory_space<hbm>> -> memref<1x1x36864xf32, #tpu.memory_space<hbm>>
        %dma_wait3A_59 = tpu.memref_squeeze %dma_wait3A_58 : memref<1x1x36864xf32, #tpu.memory_space<hbm>> -> memref<36864xf32, #tpu.memory_space<hbm>>
        tpu.wait_dma2 semaphore(%run_scoped3A_49 : memref<!tpu.dma_semaphore, #tpu.memory_space<semaphore_mem>>) src(%arg7 : memref<36864xf32, #tpu.memory_space<vmem>>) dst(%dma_wait3A_59 : memref<36864xf32, #tpu.memory_space<hbm>>)
        tpu.yield
      }) : () -> ()
    }
    %scan3A_6 = arith.constant 12 : i32
    return
  }
}

</mosaic_0001>

<sc_bundles>
// kernel: kernel.3.cloned.1.call-start
scs
__scs_entry_jumppad:
0x0: {  	(pc) =	sbr.rel $0x88, $3  }
0x1: {  	(tag) =	ssettag $0x0;
	lr =	simm.s32 $0x1  }
0x2: {  	[smem:$0x3F9F] =	sst lr;
	_ =	strace $0xD0000000  }
0x3: {  	_ = 	snop  }
0x4: {  	_ = 	snop  }
0x5: {  	_ = 	snop  }
0x6: {  	_ = 	snop  }
0x7: {  	_ = 	snop  }
__scs_overlays_trampoline_lowered:
0x8: {  	[smem:$0x3FAE] =	sst s0  }
0x9: {  	[smem:$0x3FAF] =	sst s1  }
0xa: {  	[smem:$0x3FB0] =	sst s2  }
0xb: {  	[smem:$0x3FB1] =	sst s3  }
0xc: {  	[smem:$0x3FB2] =	sst s4  }
0xd: {  	[smem:$0x3FB3] =	sst s5  }
0xe: {  	[smem:$0x3FB4] =	sst s6  }
0xf: {  	[smem:$0x3FB5] =	sst s7  }
0x10: {  	[smem:$0x3FB6] =	sst s8  }
0x11: {  	[smem:$0x3FB7] =	sst s9;
	s0 =	simm.s32 @!p0 $0x0  }
0x12: {  	s1 =	sld [smem:$0x3F9D];
	s0 =	simm.s32 @p0 $0x1  }
0x13: {  	[smem:$0x3FB8] =	sst s0;
	s0 =	simm.s32 @!p1 $0x0  }
0x14: {  	s2 =	sld [smem:$0x3F9C];
	s0 =	simm.s32 @p1 $0x1  }
0x15: {  	[smem:$0x3FB9] =	sst s0;
	s0 =	simm.s32 @!p2 $0x0  }
0x16: {  	s3 =	sld [smem:$0x3FDB];
	s0 =	simm.s32 @p2 $0x1  }
0x17: {  	s4 =	simm.s32 $0x1BF5;
	[smem:$0x3FBB] =	sst s0  }
0x18: {  	s0 =	sld [smem:$0x3F9E];
	_ =	swait.ge [sflag:s4], $0x0  }
0x19: {  	s7 =	sld [smem:$0x3F9F]  }
0x1a: {  	s8 =	sadd.s32 $0xFFFFE003, lr  }
0x1b: {  	s9 =	sadd.s32 $0xFFFFFEF7, lr;
	s5 =	simm.s32 $0xFFFFFFFF;
	p2 =	slt.u32 s8, $0xFFFFF086  }
0x1c: {  	p1 =	slt.u32 s9, $0xF7A;
	s5 =	simm.s32 @!p2 $0x0  }
0x1d: {  	s5 =	simm.s32 @p1 $0x1;
	p0 =	seq.s32 s7, s2  }
0x1e: {  	s7 =	smul.u32 @!p0 $0xF7A, s2;
	p2 =	seq.s32 @!p0 s5, $0x0  }
0x1f: {  	s9 =	smul.u32 $0xF7A, s1;
	s8 =	simm.s32 @!p0 $0x1BF5;
	p2 =	por !p2, p0  }
0x20: {  	[sflag:s8] =	ssyncset.s32 @!p0 $0xFFFFF086;
	s6 =	sadd.s32 @!p0 s3, s7;
	s7 =	simm.s32 @!p0 $0x108  }
0x21: {  	s3 =	sadd.s32 s3, s9;
	s6 =	sadd.s32 @!p0 $0x88, s6;
	s7 =	simm.s32 @p2 $0x1082  }
0x22: {  	[simem:s7], [sflag:s8] =	dma.local @!p0 [hbm:s6], $0xF7A  }
0x23: {  	s9 =	sor.u32 $0xD0000000, s2;
	s6 =	simm.s32 $0x108;
	_ =	swait.ge @!p0 [sflag:s8], $0x0  }
0x24: {  	s3 =	sadd.s32 $0x88, s3;
	s6 =	simm.s32 @!p1 $0x1082;
	[sflag:s4] =	ssyncset.s32 $0xFFFFF086  }
0x25: {  	[simem:s6], [sflag:s4] =	dma.local [hbm:s3], $0xF7A  }
0x26: {  	[smem:$0x3F9F] =	sst s1;
	(tag) =	ssettag s2;
	_ =	strace s9  }
0x27: {  	s1 =	sld [smem:$0x3FAF]  }
0x28: {  	s2 =	sld [smem:$0x3FB0]  }
0x29: {  	s4 =	sld [smem:$0x3FB2]  }
0x2a: {  	p0 =	seq.s32 s5, $0x0;
	s5 =	sld [smem:$0x3FB3]  }
0x2b: {  	s6 =	sld [smem:$0x3FB4]  }
0x2c: {  	s7 =	sld [smem:$0x3FB5]  }
0x2d: {  	s3 =	simm.s32 $0x108;
	s8 =	sld [smem:$0x3FB6]  }
0x2e: {  	s3 =	simm.s32 @!p0 $0x1082;
	s9 =	sld [smem:$0x3FB7]  }
0x2f: {  	lr =	sadd.s32 s0, s3;
	s0 =	sld [smem:$0x3FAE]  }
0x30: {  	s3 =	sld [smem:$0x3FB1]  }
0x31: {  	[smem:$0x3FBA] =	sst s10  }
0x32: {  	s10 =	sld [smem:$0x3FB8];
	_ =	sdelay $0x3  }
0x33: {  	p0 =	seq.s32 s10, $0x1;
	s10 =	sld [smem:$0x3FBA];
	_ =	sdelay $0x3  }
0x34: {  	[smem:$0x3FBA] =	sst s10  }
0x35: {  	s10 =	sld [smem:$0x3FB9];
	_ =	sdelay $0x3  }
0x36: {  	p1 =	seq.s32 s10, $0x1;
	s10 =	sld [smem:$0x3FBA];
	_ =	sdelay $0x3  }
0x37: {  	[smem:$0x3FBA] =	sst s10  }
0x38: {  	s10 =	sld [smem:$0x3FBB]  }
0x39: {  	_ = 	snop;
	(pc) =	sbr.ind lr, $3  }
0x3a: {  	_ = 	snop  }
0x3b: {  	_ = 	snop  }
0x3c: {  	p2 =	seq.s32 s10, $0x1;
	s10 =	sld [smem:$0x3FBA]  }
0x3d: {  	_ =	shalt  }
0x3e: {  	_ =	shalt  }
0x3f: {  	_ =	shalt  }
0x40: {  	_ =	shalt  }
0x41: {  	_ =	shalt  }
0x42: {  	_ =	shalt  }
0x43: {  	_ =	shalt  }
0x44: {  	_ =	shalt  }
0x45: {  	_ =	shalt  }
0x46: {  	_ =	shalt  }
0x47: {  	_ =	shalt  }
0x48: {  	_ =	shalt  }
0x49: {  	_ =	shalt  }
0x4a: {  	_ =	shalt  }
0x4b: {  	_ =	shalt  }
0x4c: {  	_ =	shalt  }
0x4d: {  	_ =	shalt  }
0x4e: {  	_ =	shalt  }
0x4f: {  	_ =	shalt  }
0x50: {  	_ =	shalt  }
0x51: {  	_ =	shalt  }
0x52: {  	_ =	shalt  }
0x53: {  	_ =	shalt  }
0x54: {  	_ =	shalt  }
0x55: {  	_ =	shalt  }
0x56: {  	_ =	shalt  }
0x57: {  	_ =	shalt  }
0x58: {  	_ =	shalt  }
0x59: {  	_ =	shalt  }
0x5a: {  	_ =	shalt  }
0x5b: {  	_ =	shalt  }
0x5c: {  	_ =	shalt  }
0x5d: {  	_ =	shalt  }
0x5e: {  	_ =	shalt  }
0x5f: {  	_ =	shalt  }
0x60: {  	_ =	shalt  }
0x61: {  	_ =	shalt  }
0x62: {  	_ =	shalt  }
0x63: {  	_ =	shalt  }
0x64: {  	_ =	shalt  }
0x65: {  	_ =	shalt  }
0x66: {  	_ =	shalt  }
0x67: {  	_ =	shalt  }
0x68: {  	_ =	shalt  }
0x69: {  	_ =	shalt  }
0x6a: {  	_ =	shalt  }
0x6b: {  	_ =	shalt  }
0x6c: {  	_ =	shalt  }
0x6d: {  	_ =	shalt  }
0x6e: {  	_ =	shalt  }
0x6f: {  	_ =	shalt  }
0x70: {  	_ =	shalt  }
0x71: {  	_ =	shalt  }
0x72: {  	_ =	shalt  }
0x73: {  	_ =	shalt  }
0x74: {  	_ =	shalt  }
0x75: {  	_ =	shalt  }
0x76: {  	_ =	shalt  }
0x77: {  	_ =	shalt  }
0x78: {  	_ =	shalt  }
0x79: {  	_ =	shalt  }
0x7a: {  	_ =	shalt  }
0x7b: {  	_ =	shalt  }
0x7c: {  	_ =	shalt  }
0x7d: {  	_ =	shalt  }
0x7e: {  	_ =	shalt  }
0x7f: {  	_ =	shalt  }
0x80: {  	_ =	shalt  }
0x81: {  	_ =	shalt  }
0x82: {  	_ =	shalt  }
0x83: {  	_ =	shalt  }
0x84: {  	_ =	shalt  }
0x85: {  	_ =	shalt  }
0x86: {  	_ =	shalt  }
0x87: {  	_ =	shalt  }
.Lfunc_end0:
.L_simem_size_0:
called_computation_lowered:
.L_overlay_start_0:
0x88: {  	s2 =	sld [smem:$0x3FD9]  }
0x89: {  	s3 =	sld [smem:$0x3FFE];
	_ =	sdelay $0x1  }
0x8a: {  	s1 =	srdreg.scid  }
0x8b: {  	s0 =	sand.u32 $0x1, s1  }
0x8c: {  	s17 =	sshll.u32 s0, $0xA;
	s2 =	sadd.s32 s3, s2  }
0x8d: {  	s2 =	sadd.s32 s2, s17  }
0x8e: {  	[smem:$0x3FC6] =	sst s2  }
0x8f: {  	_ = 	snop  }
0x90: {  	s2 =	sld [smem:$0x3FD0];
	(tm) =	ssettm $0x1  }
0x91: {  	s18 =	sld [smem:$0x3FFB];
	_ =	sdelay $0x3  }
0x92: {  	_ =	strace s18  }
0x93: {  	s3 =	sld [smem:$0x3FFC];
	_ =	sdelay $0x3  }
0x94: {  	_ =	strace s3  }
0x95: {  	s3 =	sld [smem:$0x3FFD];
	_ =	sdelay $0x3  }
0x96: {  	_ =	strace s3  }
0x97: {  	_ =	strace $0x8FFFFFFF  }
0x98: {  	s19 =	sld [smem:$0x3FDB];
	_ =	sdelay $0x1  }
0x99: {  	s4 =	simm.s32 $_scs_section_size  }
0x9a: {  	s5 =	simm.s32 $_size__tile_overlayer_lowered;
	s6 =	simm.s32 $_tile_overlayer_lowered  }
0x9b: {  	s22 =	simm.s32 $0x1BFF;
	s21 =	sshll.u32 s6, $0x1;
	s3 =	sadd.s32 s4, s19  }
0x9c: {  	s7 =	simm.s32 $0x0;
	s20 =	sshll.u32 s5, $0x1;
	s5 =	sadd.s32 s21, s3  }
0x9d: {  	[timem:s7], [sflag:s22] =	dma.local [hbm:s5], s20  }
0x9e: {  	_ =	swait.ge [sflag:s22], s20  }
0x9f: {  	s4 =	ssub.s32 $0x0, s20;
	[sflag:s22] =	ssyncset.done $0x0  }
0xa0: {  	[sflag:s22] =	ssyncadd.s32 s4;
	_ =	sdelay $0x1  }
0xa1: {  	s23 =	simm.s32 $0x1B8B  }
0xa2: {  	_ =	swait.ge [sflag:s23], $0x1  }
0xa3: {  	[sflag:s23] =	ssyncset.done $0x0  }
0xa4: {  	s25 =	simm.s32 $0x1B8E;
	s24 =	sld [smem:$0x3FFE];
	[sflag:s23] =	ssyncadd.s32 $0xFFFFFFFF  }
0xa5: {  	s26 =	simm.s32 $execute0_lowered;
	[smem:$0x3FD2] =	sst s25  }
0xa6: {  	s5 =	sshll.u32 s26, $0x1;
	_ =	strace $0x80000046;
	[dreg:$0x1] =	wrdreg $0xFFFFFFFF  }
0xa7: {  	s28 =	simm.s32 $_size_execute0_lowered;
	s3 =	sadd.s32 s3, s5;
	[dreg:$0x0] =	wrdreg $0x0  }
0xa8: {  	s5 =	sshll.u32 s28, $0x1;
	[dreg:$0x2] =	wrdreg s3  }
0xa9: {  	[dreg:$0x3] =	wrdreg s5  }
0xaa: {  	[dreg:$0x4] =	wrdreg $0xC0  }
0xab: {  	_ =	task [dreg:s7], $0x5FFFF  }
0xac: {  	[dreg:$0x1] =	wrdreg $0xFFFFFFFF  }
0xad: {  	[dreg:$0x0] =	wrdreg $0x60  }
0xae: {  	[dreg:$0x2] =	wrdreg s2  }
0xaf: {  	[dreg:$0x3] =	wrdreg s24  }
0xb0: {  	[dreg:$0x4] =	wrdreg $0x9  }
0xb1: {  	_ =	task.clear_ibuf [dreg:s7], $0x5FFFF;
	_ =	strace $0x90000046  }
0xb2: {  	s29 =	simm.s32 $0x9;
	_ =	strace $0x80000048  }
0xb3: {  	_ =	swait.ge [sflag:s29], $0x1  }
0xb4: {  	[sflag:s29] =	ssyncadd.s32 $0xFFFFFFFF  }
0xb5: {  	_ =	strace $0x90000048  }
0xb6: {  	_ =	sfence  }
0xb7: {  	s30 =	sld [smem:$0x0];
	_ =	sdelay $0x2  }
0xb8: {  	s31 =	sshll.u32 s1, $0xD;
	s1 =	sshrl.u32 s1, $0x2  }
0xb9: {  	s3 =	sand.u32 $0x4000, s31;
	s1 =	sadd.s32 s1, s30  }
0xba: {  	s0 =	sor.u32 s3, s0;
	s1 =	sshll.u32 s1, $0x11  }
0xbb: {  	s0 =	sor.u32 s1, s0  }
0xbc: {  	s0 =	sadd.s32 $0x8F2B, s0  }
0xbd: {  	[sflag:s0] =	ssyncadd.remote.s32 $0x1  }
0xbe: {  	_ =	sfence.sel $0xFFFF  }
0xbf: {  	[dreg:$0x0] =	wrdreg $0xFFFFFFFF;
	(pc) =	sbr.abs _section_cstart, $3  }
0xc0: {  	[dreg:$0x1] =	wrdreg $0xFFFFFFFF  }
0xc1: {  	_ =	task.clear_ibuf [dreg:s7], $0x2FFFF;
	_ =	strace $0x9FFFFFFF  }
0xc2: {  	(tm) =	ssettm $0x7FFFFFFF  }
0xc3: {  	_ =	shalt  }
tec
execute0_lowered:
.L_overlay_start_1:
0x0: {  	(tag) =	ssettag $0x1  }
0x1: {  	s1 =	rddreg [dreg:$0x0]  }
0x2: {  	s9 =	rddreg [dreg:$0x1]  }
0x3: {  	s0 =	rddreg [dreg:$0x2];
	s3 =	simm.s32 $0x0  }
0x4: {  	s4 =	srdreg.scid;
	s2 =	stileid.u32;
	s11 =	simm.s32 $0x80  }
0x5: {  	s12 =	simm.s32 $0x400;
	s13 =	simm.s32 $0x1;
	s14 =	simm.s32 $0x9000  }
0x6: {  	s15 =	simm.s32 $0x12000;
	s16 =	simm.s32 $0x200;
	s17 =	simm.s32 $0x0  }
0x7: {  	[smem:$0x7FF] =	sst s3;
	s5 =	sand.u32 $0x1, s4;
	s6 =	sshll.u32 s2, $0x1  }
0x8: {  	s4 =	sadd.s32 $0x400, s9;
	_ =	strace $0x80000047;
	s7 =	ssub.s32 $0x2, s5  }
0x9: {  	s6 =	sor.u32 s5, s6;
	s5 =	sadd.s32 $0x1B0400, s9;
	s8 =	sshrl.u32 s7, $0x1  }
0xa: {  	s6 =	smul.u32 $0xC, s6;
	s10 =	ssub.s32 s7, s8;
	s7 =	sadd.s32 $0x1B0410, s9  }
0xb: {  	v0 =	vimm.f32 $0.0e+00;
	s8 =	sadd.s32 $0x1B0420, s9;
	s9 =	sadd.s32 $0x1B0430, s9;
	s10 =	smax.u32 s10, $0x1  }
.LBB2_1:
0xc: {  	s18 =	simm.s32 $0x0  }
.LBB2_2:
0xd: {  	s19 =	sadd.s32 s6, s18  }
0xe: {  	s20 =	sshrl.u32 s19, $0x3  }
0xf: {  	s21 =	sshll.u32 s19, $0x7;
	s20 =	smul.u32 $0x48000, s20  }
0x10: {  	s21 =	sand.u32 $0x380, s21  }
0x11: {  	s20 =	sor.u32 s21, s20  }
0x12: {  	s20 =	sshrl.u32 s20, $0x3  }
0x13: {  	s31 =	sadd.s32 s1, s20  }
0x14: {  	[tilespmem:s3], [sflag:$0x1] =	stream.strided.gather [hbm4b:s31+s11], $0x9000, s12, s11, $0x38;
	[tilespmem:$0x1B000] =	vst v63  }
0x15: {  	_ =	swait.ge [sflag:s13], $0x9000  }
0x16: {  	[sflag:s13] =	ssyncset.done $0x0  }
0x17: {  	s20 =	sadd.s32 s4, s20;
	[sflag:s13] =	ssyncadd.s32 $0xFFFF7000  }
0x18: {  	[tilespmem:s14], [sflag:$0x1] =	stream.strided.gather [hbm4b:s20+s11], $0x9000, s12, s11, $0x38;
	[tilespmem:$0x1B000] =	vst v63  }
0x19: {  	_ =	swait.ge [sflag:s13], $0x9000  }
0x1a: {  	[sflag:s13] =	ssyncset.done $0x0  }
0x1b: {  	s20 =	simm.s32 $0x12080;
	[sflag:s13] =	ssyncadd.s32 $0xFFFF7000  }
0x1c: {  	[tilespmem:s20+$0xFFFFFF80] =	vst v0  }
0x1d: {  	[tilespmem:s20+$0x70] =	vst v0  }
0x1e: {  	[tilespmem:s20+$0x60] =	vst v0  }
0x1f: {  	[tilespmem:s20+$0x50] =	vst v0  }
0x20: {  	[tilespmem:s20+$0x40] =	vst v0  }
0x21: {  	[tilespmem:s20+$0x30] =	vst v0  }
0x22: {  	[tilespmem:s20+$0x20] =	vst v0  }
0x23: {  	[tilespmem:s20+$0x10] =	vst v0  }
0x24: {  	[tilespmem:s20+$0x0] =	vst v0  }
0x25: {  	[tilespmem:s20+$0xFFFFFFF0] =	vst v0  }
0x26: {  	[tilespmem:s20+$0xFFFFFFE0] =	vst v0  }
0x27: {  	[tilespmem:s20+$0xFFFFFFD0] =	vst v0  }
0x28: {  	[tilespmem:s20+$0xFFFFFFC0] =	vst v0  }
0x29: {  	[tilespmem:s20+$0xFFFFFFB0] =	vst v0  }
0x2a: {  	s21 =	simm.s32 $0x0;
	[tilespmem:s20+$0xFFFFFFA0] =	vst v0  }
.LBB2_3:
0x2b: {  	s21 =	sadd.s32 $0x10, s21;
	[tilespmem:s20+$0xFFFFFF90] =	vst v0;
	s20 =	sadd.s32 $0x100, s20  }
0x2c: {  	[tilespmem:s20+$0xFFFFFF80] =	vst v0;
	p0 =	slt.u32 s21, $0x8F0  }
0x2d: {  	[tilespmem:s20+$0x70] =	vst v0  }
0x2e: {  	[tilespmem:s20+$0x60] =	vst v0  }
0x2f: {  	[tilespmem:s20+$0x50] =	vst v0  }
0x30: {  	[tilespmem:s20+$0x40] =	vst v0  }
0x31: {  	[tilespmem:s20+$0x30] =	vst v0  }
0x32: {  	[tilespmem:s20+$0x20] =	vst v0  }
0x33: {  	[tilespmem:s20+$0x10] =	vst v0  }
0x34: {  	[tilespmem:s20+$0x0] =	vst v0  }
0x35: {  	[tilespmem:s20+$0xFFFFFFF0] =	vst v0  }
.Ltmp0:
0x36: {  	[tilespmem:s20+$0xFFFFFFE0] =	vst v0;
	(pc) =	sbr.rel @p0 .LBB2_3-.Ltmp0, $4  }
0x37: {  	[tilespmem:s20+$0xFFFFFFD0] =	vst v0  }
0x38: {  	[tilespmem:s20+$0xFFFFFFC0] =	vst v0  }
0x39: {  	[tilespmem:s20+$0xFFFFFFB0] =	vst v0  }
0x3a: {  	[tilespmem:s20+$0xFFFFFFA0] =	vst v0  }
0x3b: {  	[tilespmem:s20+$0xFFFFFF90] =	vst v0;
	s20 =	simm.s32 $0x0  }
.LBB2_5:
0x3c: {  	s21 =	sshra.s32 s20, $0x2  }
0x3d: {  	v1 =	vld [tilespmem:s21+$0x9000];
	_ =	sdelay $0x4  }
0x3e: {  	vm0 =	vlt.u32 v1, $0x9000  }
0x3f: {  	v2 =	vld [tilespmem:s21+$0x0];
	_ =	sdelay $0x4  }
0x40: {  	[tilespmem:v1+s15+$0x0] =	vst.idx.msk vm0, v2  }
0x41: {  	v1 =	vld [tilespmem:s21+$0x9010];
	_ =	sdelay $0x4  }
0x42: {  	vm13 =	vlt.u32 v1, $0x9000  }
0x43: {  	v2 =	vld [tilespmem:s21+$0x10];
	_ =	sdelay $0x4  }
0x44: {  	[tilespmem:v1+s15+$0x0] =	vst.idx.msk vm13, v2  }
0x45: {  	v1 =	vld [tilespmem:s21+$0x9020];
	_ =	sdelay $0x4  }
0x46: {  	vm14 =	vlt.u32 v1, $0x9000  }
0x47: {  	v2 =	vld [tilespmem:s21+$0x20];
	_ =	sdelay $0x4  }
0x48: {  	[tilespmem:v1+s15+$0x0] =	vst.idx.msk vm14, v2  }
0x49: {  	v1 =	vld [tilespmem:s21+$0x9030];
	_ =	sdelay $0x4  }
0x4a: {  	vm15 =	vlt.u32 v1, $0x9000  }
0x4b: {  	v2 =	vld [tilespmem:s21+$0x30];
	_ =	sdelay $0x4  }
0x4c: {  	[tilespmem:v1+s15+$0x0] =	vst.idx.msk vm15, v2  }
0x4d: {  	v1 =	vld [tilespmem:s21+$0x9040];
	_ =	sdelay $0x4  }
0x4e: {  	vm4 =	vlt.u32 v1, $0x9000  }
0x4f: {  	v2 =	vld [tilespmem:s21+$0x40];
	_ =	sdelay $0x4  }
0x50: {  	[tilespmem:v1+s15+$0x0] =	vst.idx.msk vm4, v2  }
0x51: {  	v1 =	vld [tilespmem:s21+$0x9050];
	_ =	sdelay $0x4  }
0x52: {  	vm5 =	vlt.u32 v1, $0x9000  }
0x53: {  	v2 =	vld [tilespmem:s21+$0x50];
	_ =	sdelay $0x4  }
0x54: {  	[tilespmem:v1+s15+$0x0] =	vst.idx.msk vm5, v2  }
0x55: {  	v1 =	vld [tilespmem:s21+$0x9060];
	_ =	sdelay $0x4  }
0x56: {  	vm6 =	vlt.u32 v1, $0x9000  }
0x57: {  	v2 =	vld [tilespmem:s21+$0x60];
	_ =	sdelay $0x4  }
0x58: {  	[tilespmem:v1+s15+$0x0] =	vst.idx.msk vm6, v2  }
0x59: {  	v1 =	vld [tilespmem:s21+$0x9070];
	_ =	sdelay $0x4  }
0x5a: {  	vm7 =	vlt.u32 v1, $0x9000  }
0x5b: {  	v2 =	vld [tilespmem:s21+$0x70];
	_ =	sdelay $0x4  }
0x5c: {  	[tilespmem:v1+s15+$0x0] =	vst.idx.msk vm7, v2  }
0x5d: {  	v1 =	vld [tilespmem:s21+$0x9080];
	_ =	sdelay $0x4  }
0x5e: {  	vm8 =	vlt.u32 v1, $0x9000  }
0x5f: {  	v2 =	vld [tilespmem:s21+$0x80];
	_ =	sdelay $0x4  }
0x60: {  	[tilespmem:v1+s15+$0x0] =	vst.idx.msk vm8, v2  }
0x61: {  	v1 =	vld [tilespmem:s21+$0x9090];
	_ =	sdelay $0x4  }
0x62: {  	vm9 =	vlt.u32 v1, $0x9000  }
0x63: {  	v2 =	vld [tilespmem:s21+$0x90];
	_ =	sdelay $0x4  }
0x64: {  	[tilespmem:v1+s15+$0x0] =	vst.idx.msk vm9, v2  }
0x65: {  	v1 =	vld [tilespmem:s21+$0x90A0];
	_ =	sdelay $0x4  }
0x66: {  	vm10 =	vlt.u32 v1, $0x9000  }
0x67: {  	v2 =	vld [tilespmem:s21+$0xA0];
	_ =	sdelay $0x4  }
0x68: {  	[tilespmem:v1+s15+$0x0] =	vst.idx.msk vm10, v2  }
0x69: {  	v1 =	vld [tilespmem:s21+$0x90B0];
	_ =	sdelay $0x4  }
0x6a: {  	vm11 =	vlt.u32 v1, $0x9000  }
0x6b: {  	v2 =	vld [tilespmem:s21+$0xB0];
	_ =	sdelay $0x4  }
0x6c: {  	[tilespmem:v1+s15+$0x0] =	vst.idx.msk vm11, v2  }
0x6d: {  	v1 =	vld [tilespmem:s21+$0x90C0];
	_ =	sdelay $0x4  }
0x6e: {  	vm12 =	vlt.u32 v1, $0x9000  }
0x6f: {  	v2 =	vld [tilespmem:s21+$0xC0];
	_ =	sdelay $0x4  }
0x70: {  	[tilespmem:v1+s15+$0x0] =	vst.idx.msk vm12, v2  }
0x71: {  	v1 =	vld [tilespmem:s21+$0x90D0];
	_ =	sdelay $0x4  }
0x72: {  	vm13 =	vlt.u32 v1, $0x9000  }
0x73: {  	v2 =	vld [tilespmem:s21+$0xD0];
	_ =	sdelay $0x4  }
0x74: {  	[tilespmem:v1+s15+$0x0] =	vst.idx.msk vm13, v2  }
0x75: {  	v1 =	vld [tilespmem:s21+$0x90E0];
	_ =	sdelay $0x4  }
0x76: {  	vm14 =	vlt.u32 v1, $0x9000  }
0x77: {  	v2 =	vld [tilespmem:s21+$0xE0];
	_ =	sdelay $0x4  }
0x78: {  	[tilespmem:v1+s15+$0x0] =	vst.idx.msk vm14, v2  }
0x79: {  	v1 =	vld [tilespmem:s21+$0x90F0];
	_ =	sdelay $0x4  }
0x7a: {  	vm15 =	vlt.u32 v1, $0x9000  }
0x7b: {  	p0 =	sne.s32 s20, $0x23C00;
	v2 =	vld [tilespmem:s21+$0xF0]  }
.Ltmp1:
0x7c: {  	_ = 	snop;
	(pc) =	sbr.rel @p0 .LBB2_5-.Ltmp1, $2  }
0x7d: {  	_ =	sdelay $0x2  }
0x7e: {  	s20 =	sadd.s32 $0x400, s20;
	[tilespmem:v1+s15+$0x0] =	vst.idx.msk vm15, v2  }
0x7f: {  	s19 =	smul.u32 $0x4800, s19;
	_ =	sdelay $0x1  }
0x80: {  	s20 =	sadd.s32 s5, s19  }
0x81: {  	[hbm4b:s20+s11] =	stream.strided.scatter [tilespmem:s15], [sflag:$0x1], $0x9000, s16, s11, $0x38;
	[tilespmem:$0x1B000] =	vst v63  }
0x82: {  	_ =	swait.ge [sflag:s13], $0x9000  }
0x83: {  	[sflag:s13] =	ssyncset.done $0x0  }
0x84: {  	s20 =	simm.s32 $0x12080;
	[sflag:s13] =	ssyncadd.s32 $0xFFFF7000  }
0x85: {  	[tilespmem:s20+$0xFFFFFF80] =	vst v0  }
0x86: {  	[tilespmem:s20+$0x70] =	vst v0  }
0x87: {  	[tilespmem:s20+$0x60] =	vst v0  }
0x88: {  	[tilespmem:s20+$0x50] =	vst v0  }
0x89: {  	[tilespmem:s20+$0x40] =	vst v0  }
0x8a: {  	[tilespmem:s20+$0x30] =	vst v0  }
0x8b: {  	[tilespmem:s20+$0x20] =	vst v0  }
0x8c: {  	[tilespmem:s20+$0x10] =	vst v0  }
0x8d: {  	[tilespmem:s20+$0x0] =	vst v0  }
0x8e: {  	[tilespmem:s20+$0xFFFFFFF0] =	vst v0  }
0x8f: {  	[tilespmem:s20+$0xFFFFFFE0] =	vst v0  }
0x90: {  	[tilespmem:s20+$0xFFFFFFD0] =	vst v0  }
0x91: {  	[tilespmem:s20+$0xFFFFFFC0] =	vst v0  }
0x92: {  	[tilespmem:s20+$0xFFFFFFB0] =	vst v0  }
0x93: {  	s21 =	simm.s32 $0x0;
	[tilespmem:s20+$0xFFFFFFA0] =	vst v0  }
.LBB2_7:
0x94: {  	s21 =	sadd.s32 $0x10, s21;
	[tilespmem:s20+$0xFFFFFF90] =	vst v0;
	s20 =	sadd.s32 $0x100, s20  }
0x95: {  	[tilespmem:s20+$0xFFFFFF80] =	vst v0;
	p0 =	slt.u32 s21, $0x8F0  }
0x96: {  	[tilespmem:s20+$0x70] =	vst v0  }
0x97: {  	[tilespmem:s20+$0x60] =	vst v0  }
0x98: {  	[tilespmem:s20+$0x50] =	vst v0  }
0x99: {  	[tilespmem:s20+$0x40] =	vst v0  }
0x9a: {  	[tilespmem:s20+$0x30] =	vst v0  }
0x9b: {  	[tilespmem:s20+$0x20] =	vst v0  }
0x9c: {  	[tilespmem:s20+$0x10] =	vst v0  }
0x9d: {  	[tilespmem:s20+$0x0] =	vst v0  }
0x9e: {  	[tilespmem:s20+$0xFFFFFFF0] =	vst v0  }
.Ltmp2:
0x9f: {  	[tilespmem:s20+$0xFFFFFFE0] =	vst v0;
	(pc) =	sbr.rel @p0 .LBB2_7-.Ltmp2, $4  }
0xa0: {  	[tilespmem:s20+$0xFFFFFFD0] =	vst v0  }
0xa1: {  	[tilespmem:s20+$0xFFFFFFC0] =	vst v0  }
0xa2: {  	[tilespmem:s20+$0xFFFFFFB0] =	vst v0  }
0xa3: {  	[tilespmem:s20+$0xFFFFFFA0] =	vst v0  }
0xa4: {  	[tilespmem:s20+$0xFFFFFF90] =	vst v0;
	s20 =	simm.s32 $0x0  }
.LBB2_9:
0xa5: {  	s21 =	sshra.s32 s20, $0x2  }
0xa6: {  	v1 =	vld [tilespmem:s21+$0x9000];
	_ =	sdelay $0x4  }
0xa7: {  	v1 =	vadd.s32 $0xFFFF7000, v1  }
0xa8: {  	vm0 =	vlt.u32 v1, $0x9000  }
0xa9: {  	v2 =	vld [tilespmem:s21+$0x0];
	_ =	sdelay $0x4  }
0xaa: {  	[tilespmem:v1+s15+$0x0] =	vst.idx.msk vm0, v2  }
0xab: {  	v1 =	vld [tilespmem:s21+$0x9010];
	_ =	sdelay $0x4  }
0xac: {  	v1 =	vadd.s32 $0xFFFF7000, v1  }
0xad: {  	vm13 =	vlt.u32 v1, $0x9000  }
0xae: {  	v2 =	vld [tilespmem:s21+$0x10];
	_ =	sdelay $0x4  }
0xaf: {  	[tilespmem:v1+s15+$0x0] =	vst.idx.msk vm13, v2  }
0xb0: {  	v1 =	vld [tilespmem:s21+$0x9020];
	_ =	sdelay $0x4  }
0xb1: {  	v1 =	vadd.s32 $0xFFFF7000, v1  }
0xb2: {  	vm14 =	vlt.u32 v1, $0x9000  }
0xb3: {  	v2 =	vld [tilespmem:s21+$0x20];
	_ =	sdelay $0x4  }
0xb4: {  	[tilespmem:v1+s15+$0x0] =	vst.idx.msk vm14, v2  }
0xb5: {  	v1 =	vld [tilespmem:s21+$0x9030];
	_ =	sdelay $0x4  }
0xb6: {  	v1 =	vadd.s32 $0xFFFF7000, v1  }
0xb7: {  	vm15 =	vlt.u32 v1, $0x9000  }
0xb8: {  	v2 =	vld [tilespmem:s21+$0x30];
	_ =	sdelay $0x4  }
0xb9: {  	[tilespmem:v1+s15+$0x0] =	vst.idx.msk vm15, v2  }
0xba: {  	v1 =	vld [tilespmem:s21+$0x9040];
	_ =	sdelay $0x4  }
0xbb: {  	v1 =	vadd.s32 $0xFFFF7000, v1  }
0xbc: {  	vm4 =	vlt.u32 v1, $0x9000  }
0xbd: {  	v2 =	vld [tilespmem:s21+$0x40];
	_ =	sdelay $0x4  }
0xbe: {  	[tilespmem:v1+s15+$0x0] =	vst.idx.msk vm4, v2  }
0xbf: {  	v1 =	vld [tilespmem:s21+$0x9050];
	_ =	sdelay $0x4  }
0xc0: {  	v1 =	vadd.s32 $0xFFFF7000, v1  }
0xc1: {  	vm5 =	vlt.u32 v1, $0x9000  }
0xc2: {  	v2 =	vld [tilespmem:s21+$0x50];
	_ =	sdelay $0x4  }
0xc3: {  	[tilespmem:v1+s15+$0x0] =	vst.idx.msk vm5, v2  }
0xc4: {  	v1 =	vld [tilespmem:s21+$0x9060];
	_ =	sdelay $0x4  }
0xc5: {  	v1 =	vadd.s32 $0xFFFF7000, v1  }
0xc6: {  	vm6 =	vlt.u32 v1, $0x9000  }
0xc7: {  	v2 =	vld [tilespmem:s21+$0x60];
	_ =	sdelay $0x4  }
0xc8: {  	[tilespmem:v1+s15+$0x0] =	vst.idx.msk vm6, v2  }
0xc9: {  	v1 =	vld [tilespmem:s21+$0x9070];
	_ =	sdelay $0x4  }
0xca: {  	v1 =	vadd.s32 $0xFFFF7000, v1  }
0xcb: {  	vm7 =	vlt.u32 v1, $0x9000  }
0xcc: {  	v2 =	vld [tilespmem:s21+$0x70];
	_ =	sdelay $0x4  }
0xcd: {  	[tilespmem:v1+s15+$0x0] =	vst.idx.msk vm7, v2  }
0xce: {  	v1 =	vld [tilespmem:s21+$0x9080];
	_ =	sdelay $0x4  }
0xcf: {  	v1 =	vadd.s32 $0xFFFF7000, v1  }
0xd0: {  	vm8 =	vlt.u32 v1, $0x9000  }
0xd1: {  	v2 =	vld [tilespmem:s21+$0x80];
	_ =	sdelay $0x4  }
0xd2: {  	[tilespmem:v1+s15+$0x0] =	vst.idx.msk vm8, v2  }
0xd3: {  	v1 =	vld [tilespmem:s21+$0x9090];
	_ =	sdelay $0x4  }
0xd4: {  	v1 =	vadd.s32 $0xFFFF7000, v1  }
0xd5: {  	vm9 =	vlt.u32 v1, $0x9000  }
0xd6: {  	v2 =	vld [tilespmem:s21+$0x90];
	_ =	sdelay $0x4  }
0xd7: {  	[tilespmem:v1+s15+$0x0] =	vst.idx.msk vm9, v2  }
0xd8: {  	v1 =	vld [tilespmem:s21+$0x90A0];
	_ =	sdelay $0x4  }
0xd9: {  	v1 =	vadd.s32 $0xFFFF7000, v1  }
0xda: {  	vm10 =	vlt.u32 v1, $0x9000  }
0xdb: {  	v2 =	vld [tilespmem:s21+$0xA0];
	_ =	sdelay $0x4  }
0xdc: {  	[tilespmem:v1+s15+$0x0] =	vst.idx.msk vm10, v2  }
0xdd: {  	v1 =	vld [tilespmem:s21+$0x90B0];
	_ =	sdelay $0x4  }
0xde: {  	v1 =	vadd.s32 $0xFFFF7000, v1  }
0xdf: {  	vm11 =	vlt.u32 v1, $0x9000  }
0xe0: {  	v2 =	vld [tilespmem:s21+$0xB0];
	_ =	sdelay $0x4  }
0xe1: {  	[tilespmem:v1+s15+$0x0] =	vst.idx.msk vm11, v2  }
0xe2: {  	v1 =	vld [tilespmem:s21+$0x90C0];
	_ =	sdelay $0x4  }
0xe3: {  	v1 =	vadd.s32 $0xFFFF7000, v1  }
0xe4: {  	vm12 =	vlt.u32 v1, $0x9000  }
0xe5: {  	v2 =	vld [tilespmem:s21+$0xC0];
	_ =	sdelay $0x4  }
0xe6: {  	[tilespmem:v1+s15+$0x0] =	vst.idx.msk vm12, v2  }
0xe7: {  	v1 =	vld [tilespmem:s21+$0x90D0];
	_ =	sdelay $0x4  }
0xe8: {  	v1 =	vadd.s32 $0xFFFF7000, v1  }
0xe9: {  	vm13 =	vlt.u32 v1, $0x9000  }
0xea: {  	v2 =	vld [tilespmem:s21+$0xD0];
	_ =	sdelay $0x4  }
0xeb: {  	[tilespmem:v1+s15+$0x0] =	vst.idx.msk vm13, v2  }
0xec: {  	v1 =	vld [tilespmem:s21+$0x90E0];
	_ =	sdelay $0x4  }
0xed: {  	v1 =	vadd.s32 $0xFFFF7000, v1  }
0xee: {  	vm14 =	vlt.u32 v1, $0x9000  }
0xef: {  	v2 =	vld [tilespmem:s21+$0xE0];
	_ =	sdelay $0x4  }
0xf0: {  	[tilespmem:v1+s15+$0x0] =	vst.idx.msk vm14, v2  }
0xf1: {  	v1 =	vld [tilespmem:s21+$0x90F0];
	_ =	sdelay $0x4  }
0xf2: {  	v1 =	vadd.s32 $0xFFFF7000, v1  }
0xf3: {  	vm15 =	vlt.u32 v1, $0x9000  }
0xf4: {  	p0 =	sne.s32 s20, $0x23C00;
	v2 =	vld [tilespmem:s21+$0xF0]  }
.Ltmp3:
0xf5: {  	_ = 	snop;
	(pc) =	sbr.rel @p0 .LBB2_9-.Ltmp3, $2  }
0xf6: {  	_ =	sdelay $0x2  }
0xf7: {  	s20 =	sadd.s32 $0x400, s20;
	[tilespmem:v1+s15+$0x0] =	vst.idx.msk vm15, v2  }
0xf8: {  	s20 =	sadd.s32 s19, s7  }
0xf9: {  	[hbm4b:s20+s11] =	stream.strided.scatter [tilespmem:s15], [sflag:$0x1], $0x9000, s16, s11, $0x38;
	[tilespmem:$0x1B000] =	vst v63  }
0xfa: {  	_ =	swait.ge [sflag:s13], $0x9000  }
0xfb: {  	[sflag:s13] =	ssyncset.done $0x0  }
0xfc: {  	s20 =	simm.s32 $0x12080;
	[sflag:s13] =	ssyncadd.s32 $0xFFFF7000  }
0xfd: {  	[tilespmem:s20+$0xFFFFFF80] =	vst v0  }
0xfe: {  	[tilespmem:s20+$0x70] =	vst v0  }
0xff: {  	[tilespmem:s20+$0x60] =	vst v0  }
0x100: {  	[tilespmem:s20+$0x50] =	vst v0  }
0x101: {  	[tilespmem:s20+$0x40] =	vst v0  }
0x102: {  	[tilespmem:s20+$0x30] =	vst v0  }
0x103: {  	[tilespmem:s20+$0x20] =	vst v0  }
0x104: {  	[tilespmem:s20+$0x10] =	vst v0  }
0x105: {  	[tilespmem:s20+$0x0] =	vst v0  }
0x106: {  	[tilespmem:s20+$0xFFFFFFF0] =	vst v0  }
0x107: {  	[tilespmem:s20+$0xFFFFFFE0] =	vst v0  }
0x108: {  	[tilespmem:s20+$0xFFFFFFD0] =	vst v0  }
0x109: {  	[tilespmem:s20+$0xFFFFFFC0] =	vst v0  }
0x10a: {  	[tilespmem:s20+$0xFFFFFFB0] =	vst v0  }
0x10b: {  	s21 =	simm.s32 $0x0;
	[tilespmem:s20+$0xFFFFFFA0] =	vst v0  }
.LBB2_11:
0x10c: {  	s21 =	sadd.s32 $0x10, s21;
	[tilespmem:s20+$0xFFFFFF90] =	vst v0;
	s20 =	sadd.s32 $0x100, s20  }
0x10d: {  	[tilespmem:s20+$0xFFFFFF80] =	vst v0;
	p0 =	slt.u32 s21, $0x8F0  }
0x10e: {  	[tilespmem:s20+$0x70] =	vst v0  }
0x10f: {  	[tilespmem:s20+$0x60] =	vst v0  }
0x110: {  	[tilespmem:s20+$0x50] =	vst v0  }
0x111: {  	[tilespmem:s20+$0x40] =	vst v0  }
0x112: {  	[tilespmem:s20+$0x30] =	vst v0  }
0x113: {  	[tilespmem:s20+$0x20] =	vst v0  }
0x114: {  	[tilespmem:s20+$0x10] =	vst v0  }
0x115: {  	[tilespmem:s20+$0x0] =	vst v0  }
0x116: {  	[tilespmem:s20+$0xFFFFFFF0] =	vst v0  }
.Ltmp4:
0x117: {  	[tilespmem:s20+$0xFFFFFFE0] =	vst v0;
	(pc) =	sbr.rel @p0 .LBB2_11-.Ltmp4, $4  }
0x118: {  	[tilespmem:s20+$0xFFFFFFD0] =	vst v0  }
0x119: {  	[tilespmem:s20+$0xFFFFFFC0] =	vst v0  }
0x11a: {  	[tilespmem:s20+$0xFFFFFFB0] =	vst v0  }
0x11b: {  	[tilespmem:s20+$0xFFFFFFA0] =	vst v0  }
0x11c: {  	[tilespmem:s20+$0xFFFFFF90] =	vst v0;
	s20 =	simm.s32 $0x0  }
.LBB2_13:
0x11d: {  	s21 =	sshra.s32 s20, $0x2  }
0x11e: {  	v1 =	vld [tilespmem:s21+$0x9000];
	_ =	sdelay $0x4  }
0x11f: {  	v1 =	vadd.s32 $0xFFFEE000, v1  }
0x120: {  	vm0 =	vlt.u32 v1, $0x9000  }
0x121: {  	v2 =	vld [tilespmem:s21+$0x0];
	_ =	sdelay $0x4  }
0x122: {  	[tilespmem:v1+s15+$0x0] =	vst.idx.msk vm0, v2  }
0x123: {  	v1 =	vld [tilespmem:s21+$0x9010];
	_ =	sdelay $0x4  }
0x124: {  	v1 =	vadd.s32 $0xFFFEE000, v1  }
0x125: {  	vm13 =	vlt.u32 v1, $0x9000  }
0x126: {  	v2 =	vld [tilespmem:s21+$0x10];
	_ =	sdelay $0x4  }
0x127: {  	[tilespmem:v1+s15+$0x0] =	vst.idx.msk vm13, v2  }
0x128: {  	v1 =	vld [tilespmem:s21+$0x9020];
	_ =	sdelay $0x4  }
0x129: {  	v1 =	vadd.s32 $0xFFFEE000, v1  }
0x12a: {  	vm14 =	vlt.u32 v1, $0x9000  }
0x12b: {  	v2 =	vld [tilespmem:s21+$0x20];
	_ =	sdelay $0x4  }
0x12c: {  	[tilespmem:v1+s15+$0x0] =	vst.idx.msk vm14, v2  }
0x12d: {  	v1 =	vld [tilespmem:s21+$0x9030];
	_ =	sdelay $0x4  }
0x12e: {  	v1 =	vadd.s32 $0xFFFEE000, v1  }
0x12f: {  	vm15 =	vlt.u32 v1, $0x9000  }
0x130: {  	v2 =	vld [tilespmem:s21+$0x30];
	_ =	sdelay $0x4  }
0x131: {  	[tilespmem:v1+s15+$0x0] =	vst.idx.msk vm15, v2  }
0x132: {  	v1 =	vld [tilespmem:s21+$0x9040];
	_ =	sdelay $0x4  }
0x133: {  	v1 =	vadd.s32 $0xFFFEE000, v1  }
0x134: {  	vm4 =	vlt.u32 v1, $0x9000  }
0x135: {  	v2 =	vld [tilespmem:s21+$0x40];
	_ =	sdelay $0x4  }
0x136: {  	[tilespmem:v1+s15+$0x0] =	vst.idx.msk vm4, v2  }
0x137: {  	v1 =	vld [tilespmem:s21+$0x9050];
	_ =	sdelay $0x4  }
0x138: {  	v1 =	vadd.s32 $0xFFFEE000, v1  }
0x139: {  	vm5 =	vlt.u32 v1, $0x9000  }
0x13a: {  	v2 =	vld [tilespmem:s21+$0x50];
	_ =	sdelay $0x4  }
0x13b: {  	[tilespmem:v1+s15+$0x0] =	vst.idx.msk vm5, v2  }
0x13c: {  	v1 =	vld [tilespmem:s21+$0x9060];
	_ =	sdelay $0x4  }
0x13d: {  	v1 =	vadd.s32 $0xFFFEE000, v1  }
0x13e: {  	vm6 =	vlt.u32 v1, $0x9000  }
0x13f: {  	v2 =	vld [tilespmem:s21+$0x60];
	_ =	sdelay $0x4  }
0x140: {  	[tilespmem:v1+s15+$0x0] =	vst.idx.msk vm6, v2  }
0x141: {  	v1 =	vld [tilespmem:s21+$0x9070];
	_ =	sdelay $0x4  }
0x142: {  	v1 =	vadd.s32 $0xFFFEE000, v1  }
0x143: {  	vm7 =	vlt.u32 v1, $0x9000  }
0x144: {  	v2 =	vld [tilespmem:s21+$0x70];
	_ =	sdelay $0x4  }
0x145: {  	[tilespmem:v1+s15+$0x0] =	vst.idx.msk vm7, v2  }
0x146: {  	v1 =	vld [tilespmem:s21+$0x9080];
	_ =	sdelay $0x4  }
0x147: {  	v1 =	vadd.s32 $0xFFFEE000, v1  }
0x148: {  	vm8 =	vlt.u32 v1, $0x9000  }
0x149: {  	v2 =	vld [tilespmem:s21+$0x80];
	_ =	sdelay $0x4  }
0x14a: {  	[tilespmem:v1+s15+$0x0] =	vst.idx.msk vm8, v2  }
0x14b: {  	v1 =	vld [tilespmem:s21+$0x9090];
	_ =	sdelay $0x4  }
0x14c: {  	v1 =	vadd.s32 $0xFFFEE000, v1  }
0x14d: {  	vm9 =	vlt.u32 v1, $0x9000  }
0x14e: {  	v2 =	vld [tilespmem:s21+$0x90];
	_ =	sdelay $0x4  }
0x14f: {  	[tilespmem:v1+s15+$0x0] =	vst.idx.msk vm9, v2  }
0x150: {  	v1 =	vld [tilespmem:s21+$0x90A0];
	_ =	sdelay $0x4  }
0x151: {  	v1 =	vadd.s32 $0xFFFEE000, v1  }
0x152: {  	vm10 =	vlt.u32 v1, $0x9000  }
0x153: {  	v2 =	vld [tilespmem:s21+$0xA0];
	_ =	sdelay $0x4  }
0x154: {  	[tilespmem:v1+s15+$0x0] =	vst.idx.msk vm10, v2  }
0x155: {  	v1 =	vld [tilespmem:s21+$0x90B0];
	_ =	sdelay $0x4  }
0x156: {  	v1 =	vadd.s32 $0xFFFEE000, v1  }
0x157: {  	vm11 =	vlt.u32 v1, $0x9000  }
0x158: {  	v2 =	vld [tilespmem:s21+$0xB0];
	_ =	sdelay $0x4  }
0x159: {  	[tilespmem:v1+s15+$0x0] =	vst.idx.msk vm11, v2  }
0x15a: {  	v1 =	vld [tilespmem:s21+$0x90C0];
	_ =	sdelay $0x4  }
0x15b: {  	v1 =	vadd.s32 $0xFFFEE000, v1  }
0x15c: {  	vm12 =	vlt.u32 v1, $0x9000  }
0x15d: {  	v2 =	vld [tilespmem:s21+$0xC0];
	_ =	sdelay $0x4  }
0x15e: {  	[tilespmem:v1+s15+$0x0] =	vst.idx.msk vm12, v2  }
0x15f: {  	v1 =	vld [tilespmem:s21+$0x90D0];
	_ =	sdelay $0x4  }
0x160: {  	v1 =	vadd.s32 $0xFFFEE000, v1  }
0x161: {  	vm13 =	vlt.u32 v1, $0x9000  }
0x162: {  	v2 =	vld [tilespmem:s21+$0xD0];
	_ =	sdelay $0x4  }
0x163: {  	[tilespmem:v1+s15+$0x0] =	vst.idx.msk vm13, v2  }
0x164: {  	v1 =	vld [tilespmem:s21+$0x90E0];
	_ =	sdelay $0x4  }
0x165: {  	v1 =	vadd.s32 $0xFFFEE000, v1  }
0x166: {  	vm14 =	vlt.u32 v1, $0x9000  }
0x167: {  	v2 =	vld [tilespmem:s21+$0xE0];
	_ =	sdelay $0x4  }
0x168: {  	[tilespmem:v1+s15+$0x0] =	vst.idx.msk vm14, v2  }
0x169: {  	v1 =	vld [tilespmem:s21+$0x90F0];
	_ =	sdelay $0x4  }
0x16a: {  	v1 =	vadd.s32 $0xFFFEE000, v1  }
0x16b: {  	vm15 =	vlt.u32 v1, $0x9000  }
0x16c: {  	p0 =	sne.s32 s20, $0x23C00;
	v2 =	vld [tilespmem:s21+$0xF0]  }
.Ltmp5:
0x16d: {  	_ = 	snop;
	(pc) =	sbr.rel @p0 .LBB2_13-.Ltmp5, $2  }
0x16e: {  	_ =	sdelay $0x2  }
0x16f: {  	s20 =	sadd.s32 $0x400, s20;
	[tilespmem:v1+s15+$0x0] =	vst.idx.msk vm15, v2  }
0x170: {  	s20 =	sadd.s32 s19, s8  }
0x171: {  	[hbm4b:s20+s11] =	stream.strided.scatter [tilespmem:s15], [sflag:$0x1], $0x9000, s16, s11, $0x38;
	[tilespmem:$0x1B000] =	vst v63  }
0x172: {  	_ =	swait.ge [sflag:s13], $0x9000  }
0x173: {  	[sflag:s13] =	ssyncset.done $0x0  }
0x174: {  	s20 =	simm.s32 $0x12080;
	[sflag:s13] =	ssyncadd.s32 $0xFFFF7000  }
0x175: {  	[tilespmem:s20+$0xFFFFFF80] =	vst v0  }
0x176: {  	[tilespmem:s20+$0x70] =	vst v0  }
0x177: {  	[tilespmem:s20+$0x60] =	vst v0  }
0x178: {  	[tilespmem:s20+$0x50] =	vst v0  }
0x179: {  	[tilespmem:s20+$0x40] =	vst v0  }
0x17a: {  	[tilespmem:s20+$0x30] =	vst v0  }
0x17b: {  	[tilespmem:s20+$0x20] =	vst v0  }
0x17c: {  	[tilespmem:s20+$0x10] =	vst v0  }
0x17d: {  	[tilespmem:s20+$0x0] =	vst v0  }
0x17e: {  	[tilespmem:s20+$0xFFFFFFF0] =	vst v0  }
0x17f: {  	[tilespmem:s20+$0xFFFFFFE0] =	vst v0  }
0x180: {  	[tilespmem:s20+$0xFFFFFFD0] =	vst v0  }
0x181: {  	[tilespmem:s20+$0xFFFFFFC0] =	vst v0  }
0x182: {  	[tilespmem:s20+$0xFFFFFFB0] =	vst v0  }
0x183: {  	s21 =	simm.s32 $0x0;
	[tilespmem:s20+$0xFFFFFFA0] =	vst v0  }
.LBB2_15:
0x184: {  	s21 =	sadd.s32 $0x10, s21;
	[tilespmem:s20+$0xFFFFFF90] =	vst v0;
	s20 =	sadd.s32 $0x100, s20  }
0x185: {  	[tilespmem:s20+$0xFFFFFF80] =	vst v0;
	p0 =	slt.u32 s21, $0x8F0  }
0x186: {  	[tilespmem:s20+$0x70] =	vst v0  }
0x187: {  	[tilespmem:s20+$0x60] =	vst v0  }
0x188: {  	[tilespmem:s20+$0x50] =	vst v0  }
0x189: {  	[tilespmem:s20+$0x40] =	vst v0  }
0x18a: {  	[tilespmem:s20+$0x30] =	vst v0  }
0x18b: {  	[tilespmem:s20+$0x20] =	vst v0  }
0x18c: {  	[tilespmem:s20+$0x10] =	vst v0  }
0x18d: {  	[tilespmem:s20+$0x0] =	vst v0  }
0x18e: {  	[tilespmem:s20+$0xFFFFFFF0] =	vst v0  }
.Ltmp6:
0x18f: {  	[tilespmem:s20+$0xFFFFFFE0] =	vst v0;
	(pc) =	sbr.rel @p0 .LBB2_15-.Ltmp6, $4  }
0x190: {  	[tilespmem:s20+$0xFFFFFFD0] =	vst v0  }
0x191: {  	[tilespmem:s20+$0xFFFFFFC0] =	vst v0  }
0x192: {  	[tilespmem:s20+$0xFFFFFFB0] =	vst v0  }
0x193: {  	[tilespmem:s20+$0xFFFFFFA0] =	vst v0  }
0x194: {  	[tilespmem:s20+$0xFFFFFF90] =	vst v0;
	s20 =	simm.s32 $0x0  }
.LBB2_17:
0x195: {  	s21 =	sshra.s32 s20, $0x2  }
0x196: {  	v1 =	vld [tilespmem:s21+$0x9000];
	_ =	sdelay $0x4  }
0x197: {  	v1 =	vadd.s32 $0xFFFE5000, v1  }
0x198: {  	vm0 =	vlt.u32 v1, $0x9000  }
0x199: {  	v2 =	vld [tilespmem:s21+$0x0];
	_ =	sdelay $0x4  }
0x19a: {  	[tilespmem:v1+s15+$0x0] =	vst.idx.msk vm0, v2  }
0x19b: {  	v1 =	vld [tilespmem:s21+$0x9010];
	_ =	sdelay $0x4  }
0x19c: {  	v1 =	vadd.s32 $0xFFFE5000, v1  }
0x19d: {  	vm13 =	vlt.u32 v1, $0x9000  }
0x19e: {  	v2 =	vld [tilespmem:s21+$0x10];
	_ =	sdelay $0x4  }
0x19f: {  	[tilespmem:v1+s15+$0x0] =	vst.idx.msk vm13, v2  }
0x1a0: {  	v1 =	vld [tilespmem:s21+$0x9020];
	_ =	sdelay $0x4  }
0x1a1: {  	v1 =	vadd.s32 $0xFFFE5000, v1  }
0x1a2: {  	vm14 =	vlt.u32 v1, $0x9000  }
0x1a3: {  	v2 =	vld [tilespmem:s21+$0x20];
	_ =	sdelay $0x4  }
0x1a4: {  	[tilespmem:v1+s15+$0x0] =	vst.idx.msk vm14, v2  }
0x1a5: {  	v1 =	vld [tilespmem:s21+$0x9030];
	_ =	sdelay $0x4  }
0x1a6: {  	v1 =	vadd.s32 $0xFFFE5000, v1  }
0x1a7: {  	vm15 =	vlt.u32 v1, $0x9000  }
0x1a8: {  	v2 =	vld [tilespmem:s21+$0x30];
	_ =	sdelay $0x4  }
0x1a9: {  	[tilespmem:v1+s15+$0x0] =	vst.idx.msk vm15, v2  }
0x1aa: {  	v1 =	vld [tilespmem:s21+$0x9040];
	_ =	sdelay $0x4  }
0x1ab: {  	v1 =	vadd.s32 $0xFFFE5000, v1  }
0x1ac: {  	vm4 =	vlt.u32 v1, $0x9000  }
0x1ad: {  	v2 =	vld [tilespmem:s21+$0x40];
	_ =	sdelay $0x4  }
0x1ae: {  	[tilespmem:v1+s15+$0x0] =	vst.idx.msk vm4, v2  }
0x1af: {  	v1 =	vld [tilespmem:s21+$0x9050];
	_ =	sdelay $0x4  }
0x1b0: {  	v1 =	vadd.s32 $0xFFFE5000, v1  }
0x1b1: {  	vm5 =	vlt.u32 v1, $0x9000  }
0x1b2: {  	v2 =	vld [tilespmem:s21+$0x50];
	_ =	sdelay $0x4  }
0x1b3: {  	[tilespmem:v1+s15+$0x0] =	vst.idx.msk vm5, v2  }
0x1b4: {  	v1 =	vld [tilespmem:s21+$0x9060];
	_ =	sdelay $0x4  }
0x1b5: {  	v1 =	vadd.s32 $0xFFFE5000, v1  }
0x1b6: {  	vm6 =	vlt.u32 v1, $0x9000  }
0x1b7: {  	v2 =	vld [tilespmem:s21+$0x60];
	_ =	sdelay $0x4  }
0x1b8: {  	[tilespmem:v1+s15+$0x0] =	vst.idx.msk vm6, v2  }
0x1b9: {  	v1 =	vld [tilespmem:s21+$0x9070];
	_ =	sdelay $0x4  }
0x1ba: {  	v1 =	vadd.s32 $0xFFFE5000, v1  }
0x1bb: {  	vm7 =	vlt.u32 v1, $0x9000  }
0x1bc: {  	v2 =	vld [tilespmem:s21+$0x70];
	_ =	sdelay $0x4  }
0x1bd: {  	[tilespmem:v1+s15+$0x0] =	vst.idx.msk vm7, v2  }
0x1be: {  	v1 =	vld [tilespmem:s21+$0x9080];
	_ =	sdelay $0x4  }
0x1bf: {  	v1 =	vadd.s32 $0xFFFE5000, v1  }
0x1c0: {  	vm8 =	vlt.u32 v1, $0x9000  }
0x1c1: {  	v2 =	vld [tilespmem:s21+$0x80];
	_ =	sdelay $0x4  }
0x1c2: {  	[tilespmem:v1+s15+$0x0] =	vst.idx.msk vm8, v2  }
0x1c3: {  	v1 =	vld [tilespmem:s21+$0x9090];
	_ =	sdelay $0x4  }
0x1c4: {  	v1 =	vadd.s32 $0xFFFE5000, v1  }
0x1c5: {  	vm9 =	vlt.u32 v1, $0x9000  }
0x1c6: {  	v2 =	vld [tilespmem:s21+$0x90];
	_ =	sdelay $0x4  }
0x1c7: {  	[tilespmem:v1+s15+$0x0] =	vst.idx.msk vm9, v2  }
0x1c8: {  	v1 =	vld [tilespmem:s21+$0x90A0];
	_ =	sdelay $0x4  }
0x1c9: {  	v1 =	vadd.s32 $0xFFFE5000, v1  }
0x1ca: {  	vm10 =	vlt.u32 v1, $0x9000  }
0x1cb: {  	v2 =	vld [tilespmem:s21+$0xA0];
	_ =	sdelay $0x4  }
0x1cc: {  	[tilespmem:v1+s15+$0x0] =	vst.idx.msk vm10, v2  }
0x1cd: {  	v1 =	vld [tilespmem:s21+$0x90B0];
	_ =	sdelay $0x4  }
0x1ce: {  	v1 =	vadd.s32 $0xFFFE5000, v1  }
0x1cf: {  	vm11 =	vlt.u32 v1, $0x9000  }
0x1d0: {  	v2 =	vld [tilespmem:s21+$0xB0];
	_ =	sdelay $0x4  }
0x1d1: {  	[tilespmem:v1+s15+$0x0] =	vst.idx.msk vm11, v2  }
0x1d2: {  	v1 =	vld [tilespmem:s21+$0x90C0];
	_ =	sdelay $0x4  }
0x1d3: {  	v1 =	vadd.s32 $0xFFFE5000, v1  }
0x1d4: {  	vm12 =	vlt.u32 v1, $0x9000  }
0x1d5: {  	v2 =	vld [tilespmem:s21+$0xC0];
	_ =	sdelay $0x4  }
0x1d6: {  	[tilespmem:v1+s15+$0x0] =	vst.idx.msk vm12, v2  }
0x1d7: {  	v1 =	vld [tilespmem:s21+$0x90D0];
	_ =	sdelay $0x4  }
0x1d8: {  	v1 =	vadd.s32 $0xFFFE5000, v1  }
0x1d9: {  	vm13 =	vlt.u32 v1, $0x9000  }
0x1da: {  	v2 =	vld [tilespmem:s21+$0xD0];
	_ =	sdelay $0x4  }
0x1db: {  	[tilespmem:v1+s15+$0x0] =	vst.idx.msk vm13, v2  }
0x1dc: {  	v1 =	vld [tilespmem:s21+$0x90E0];
	_ =	sdelay $0x4  }
0x1dd: {  	v1 =	vadd.s32 $0xFFFE5000, v1  }
0x1de: {  	vm14 =	vlt.u32 v1, $0x9000  }
0x1df: {  	v2 =	vld [tilespmem:s21+$0xE0];
	_ =	sdelay $0x4  }
0x1e0: {  	[tilespmem:v1+s15+$0x0] =	vst.idx.msk vm14, v2  }
0x1e1: {  	v1 =	vld [tilespmem:s21+$0x90F0];
	_ =	sdelay $0x4  }
0x1e2: {  	v1 =	vadd.s32 $0xFFFE5000, v1  }
0x1e3: {  	vm15 =	vlt.u32 v1, $0x9000  }
0x1e4: {  	p0 =	sne.s32 s20, $0x23C00;
	v2 =	vld [tilespmem:s21+$0xF0]  }
.Ltmp7:
0x1e5: {  	_ = 	snop;
	(pc) =	sbr.rel @p0 .LBB2_17-.Ltmp7, $2  }
0x1e6: {  	_ =	sdelay $0x2  }
0x1e7: {  	s20 =	sadd.s32 $0x400, s20;
	[tilespmem:v1+s15+$0x0] =	vst.idx.msk vm15, v2  }
0x1e8: {  	s18 =	sadd.s32 $0x1, s18  }
0x1e9: {  	p0 =	sne.s32 s18, $0xC  }
.Ltmp8:
0x1ea: {  	s19 =	sadd.s32 s19, s9;
	(pc) =	sbr.rel @p0 .LBB2_2-.Ltmp8, $4  }
0x1eb: {  	[hbm4b:s19+s11] =	stream.strided.scatter [tilespmem:s15], [sflag:$0x1], $0x9000, s16, s11, $0x38;
	[tilespmem:$0x1B000] =	vst v63  }
0x1ec: {  	_ =	swait.ge [sflag:s13], $0x9000  }
0x1ed: {  	[sflag:s13] =	ssyncset.done $0x0  }
0x1ee: {  	[sflag:s13] =	ssyncadd.s32 $0xFFFF7000  }
0x1ef: {  	s17 =	sadd.s32 $0x1, s17  }
0x1f0: {  	p0 =	sne.s32 s17, s10  }
.Ltmp9:
0x1f1: {  	_ = 	snop;
	(pc) =	sbr.rel @p0 .LBB2_1-.Ltmp9, $1  }
0x1f2: {  	_ =	sdelay $0x3  }
0x1f3: {  	_ =	sfence.sel $0x180000  }
0x1f4: {  	[bflag:$0x0] =	sbarrier.arrive $0xFFFF  }
0x1f5: {  	p0 =	sne.s32 s2, $0x0;
	_ =	strace $0x90000047  }
0x1f6: {  	s0 =	sadd.s32 @!p0 $0x100000, s0;
	[bflag:$0x2] =	sbarrier.arrive $0xFFFF  }
0x1f7: {  	[sflag:s0] =	ssyncadd.tile.s32 @!p0 $0x1;
	_ =	shalt  }
.Lfunc_end2:
_tile_overlayer_lowered:
.L_overlay_start_2:
0x1f8: {  	(tag) =	ssettag $0x2  }
0x1f9: {  	s0 =	rddreg [dreg:$0x0];
	s2 =	stileid.u32  }
0x1fa: {  	s1 =	rddreg [dreg:$0x1];
	p0 =	sne.s32 s2, $0x0  }
0x1fb: {  	s3 =	rddreg [dreg:$0x2];
	[bflag:$0x3] =	sbarrier.arrive $0xFFFF;
	s2 =	simm.s32 @!p0 $0x1C01  }
0x1fc: {  	[timem:s3], [sflag:s2] =	dma.local @!p0 [hbm:s0], s1  }
0x1fd: {  	s0 =	simm.s32 @!p0 $0x1  }
0x1fe: {  	_ =	swait.ge @!p0 [sflag:s0], s1  }
0x1ff: {  	s1 =	ssub.s32 @!p0 $0x0, s1;
	[sflag:s0] =	ssyncset.done @!p0 $0x0  }
0x200: {  	[sflag:s0] =	ssyncadd.s32 @!p0 s1  }
0x201: {  	[bflag:$0x3] =	sbarrier.arrive $0xFFFF  }
0x202: {  	_ =	shalt  }

</sc_bundles>
